<compile_context>
chip_gen: v7x
topology: tpu7x:2x2x1
jax: 0.10.2.dev20260603
libtpu: 0.0.44.dev20260713+nightly
codegen_flags: <defaults>
</compile_context>

<pallas_src>
import functools
import jax
import jax.numpy as jnp
from jax import lax
from jax.experimental import pallas as pl
from jax.experimental.pallas import tpu as pltpu
from jax.experimental.pallas import tpu_sc as plsc

_D = 64
_C = 1024
_B = 16
_T = 1024
_N = _B * _T
_U = 8


def _tc1_body(x_ref, e_ref, idx_ref, pplx_ref, counts_ref):
    b = pl.program_id(0)
    e = e_ref[...]
    e_bf = e.astype(jnp.bfloat16)
    em2_bf = e_bf * jnp.bfloat16(-2.0)
    e2 = jnp.sum(e * e, axis=0)
    e2_col = e2[None, :].T

    @pl.when(b == 0)
    def _init():
        counts_ref[...] = jnp.zeros_like(counts_ref)

    cnt = jnp.zeros((_C, 1), jnp.float32)
    for i in range(_U):
        xb = x_ref[i]
        xem2 = jax.lax.dot_general(em2_bf, xb.astype(jnp.bfloat16),
                                   (((0,), (0,)), ((), ())),
                                   preferred_element_type=jnp.float32)
        x2 = jnp.sum(xb * xb, axis=0)
        dist = (x2[None, :] + xem2) + e2_col
        idx = jnp.argmin(dist, axis=0).astype(jnp.int32)
        idx_ref[i] = idx
        oh_bf = (jax.lax.broadcasted_iota(jnp.int32, (_C, _T), 0)
                 == idx[None, :]).astype(jnp.bfloat16)
        ones_col = jnp.ones((_T, 1), jnp.bfloat16)
        cnt = cnt + jax.lax.dot_general(oh_bf, ones_col,
                                        (((1,), (0,)), ((), ())),
                                        preferred_element_type=jnp.float32)

    counts_ref[...] += cnt

    @pl.when(b == (_B // _U) - 1)
    def _fin():
        probs = counts_ref[...] * (1.0 / _N)
        ent = -jnp.sum(probs * jnp.log(probs + 1e-10))
        pplx_ref[...] = jnp.exp(ent).reshape(1, 1)


_tc1 = pl.pallas_call(
    _tc1_body,
    grid=(_B // _U,),
    in_specs=[
        pl.BlockSpec((_U, _D, _T), lambda b: (b, 0, 0)),
        pl.BlockSpec((_D, _C), lambda b: (0, 0)),
    ],
    out_specs=[
        pl.BlockSpec((_U, _T), lambda b: (b, 0)),
        pl.BlockSpec((1, 1), lambda b: (0, 0)),
    ],
    out_shape=[
        jax.ShapeDtypeStruct((_B, _T), jnp.int32),
        jax.ShapeDtypeStruct((1, 1), jnp.float32),
    ],
    scratch_shapes=[pltpu.VMEM((_C, 1), jnp.float32)],
)


def _sc_gather(table, idx_flat):
    info = plsc.get_sparse_core_info()
    nc, ns = info.num_cores, info.num_subcores
    nw = nc * ns
    bpw = _N // nw
    k_chunks = bpw // 128

    @functools.partial(
        pl.kernel,
        mesh=plsc.VectorSubcoreMesh(core_axis_name="c", subcore_axis_name="s"),
        out_type=jax.ShapeDtypeStruct((_N, 128), jnp.float32),
        scratch_types=[
            pltpu.VMEM((k_chunks, 128), jnp.int32),
            pltpu.VMEM((bpw, 128), jnp.float32),
            pltpu.SemaphoreType.DMA,
        ],
    )
    def k(table_hbm, idx_hbm, out_hbm, idx_v, rows_v, sem):
        wid = lax.axis_index("s") * nc + lax.axis_index("c")
        base = wid * bpw
        pltpu.sync_copy(idx_hbm.at[pl.ds(wid * k_chunks, k_chunks)], idx_v)
        for j in range(k_chunks):
            pltpu.async_copy(table_hbm.at[idx_v.at[j]],
                             rows_v.at[pl.ds(j * 128, 128)], sem).wait()
        pltpu.sync_copy(rows_v, out_hbm.at[pl.ds(base, bpw)])

    return k(table, idx_flat.reshape(_N // 128, 128))


def _tc2_body(x_ref, qf_ref, q_ref):
    xb = x_ref[0]
    qT = qf_ref[0][:, :_D].T
    q_ref[0] = xb + (qT - xb)


_tc2 = pl.pallas_call(
    _tc2_body,
    grid=(_B,),
    in_specs=[
        pl.BlockSpec((1, _D, _T), lambda b: (b, 0, 0)),
        pl.BlockSpec((1, _T, 128), lambda b: (b, 0, 0)),
    ],
    out_specs=pl.BlockSpec((1, _D, _T), lambda b: (b, 0, 0)),
    out_shape=jax.ShapeDtypeStruct((_B, _D, _T), jnp.float32),
)


def kernel(x, embed):
    idx, pplx = _tc1(x, embed)
    table = jnp.pad(jnp.swapaxes(embed, 0, 1), ((0, 0), (0, 128 - _D)))
    qflat = _sc_gather(table, idx.reshape(-1))
    q = _tc2(x, qflat.reshape(_B, _T, 128))
    return q, idx, pplx[0, 0]

# --- scband reference (transcript-rebuilt; emitter-appended) ---
"""Pipeline reference for scband-quantize-21174188769948 (READ-ONLY COPY).

The authoritative reference and input builder live on the scoring server;
editing this copy changes nothing except your own understanding.
"""

import jax, jax.numpy as jnp
import numpy as np

LATENT_DIM = 64
NUM_EMBED = 1024

def setup_inputs(seed: int = 0) -> dict:
    key = jax.random.key(seed)
    k1, k2 = jax.random.split(key)
    x = jax.random.normal(k1, (16, LATENT_DIM, 1024), dtype=jnp.float32)
    embed = jax.random.normal(k2, (LATENT_DIM, NUM_EMBED), dtype=jnp.float32)
    return {"x": x, "embed": embed}

def reference(x, embed):
    # eval-mode forward of Quantize (no EMA buffer updates)
    xt = jnp.swapaxes(x, 1, 2)  # [B, T, D]
    x_flat = jax.lax.stop_gradient(xt).reshape(-1, LATENT_DIM)
    dist = (x_flat ** 2).sum(axis=1, keepdims=True) - 2.0 * (x_flat @ embed) + (embed ** 2).sum(axis=0, keepdims=True)
    embed_idx = jnp.argmin(dist, axis=1)
    embed_onehot = jax.nn.one_hot(embed_idx, NUM_EMBED, dtype=x.dtype)
    quantize = jnp.take(embed.T, embed_idx, axis=0)  # F.embedding(idx, embed.T)
    quantize = quantize.reshape(xt.shape)
    embed_idx_out = embed_idx.reshape(xt.shape[0], xt.shape[1])
    # straight-through estimator
    quantize = xt + jax.lax.stop_gradient(quantize - xt)
    probs = embed_onehot.mean(axis=0)
    entropy = -jnp.sum(probs * jnp.log(probs + 1e-10))
    perplexity = jnp.exp(entropy)
    return (jnp.swapaxes(quantize, 1, 2), embed_idx_out, perplexity)

if __name__ == "__main__":
    import jax
    _d = setup_inputs()
    print(jax.jit(kernel)(*tuple(_d.values())))

</pallas_src>

<mosaic_0001>
#map = affine_map<(d0, d1) -> (0, 0)>
module attributes {stable_mosaic.version = 14 : i64} {
  func.func @k(%arg0: i32, %arg1: i32, %arg2: memref<1024x128xf32, #tpu.memory_space<hbm>>, %arg3: memref<128x128xi32, #tpu.memory_space<hbm>>, %arg4: memref<16384x128xf32, #tpu.memory_space<hbm>>, %arg5: memref<4x128xi32, #tpu.memory_space<vmem>>, %arg6: memref<512x128xf32, #tpu.memory_space<vmem>>, %arg7: memref<!tpu.dma_semaphore, #tpu.memory_space<semaphore_mem>>) attributes {dimension_semantics = [#tpu.dimension_semantics<core_parallel>, #tpu.dimension_semantics<subcore_parallel>], iteration_bounds = array<i64: 2, 16>, scalar_prefetch = 0 : i64, scratch_operands = 3 : i64, tpu.core_type = #tpu.core_type<sc_vector_subcore>, window_params = [{transform_indices = #map}, {transform_indices = #map}, {transform_indices = #map}]} {
    %mul3A = arith.constant 2 : i32
    %mul3A_0 = arith.muli %arg1, %mul3A : i32
    %add3A = arith.addi %mul3A_0, %arg0 : i32
    %mul3A_1 = arith.constant 512 : i32
    %mul3A_2 = arith.muli %add3A, %mul3A_1 : i32
    %mul3A_3 = arith.constant 4 : i32
    %mul3A_4 = arith.muli %add3A, %mul3A_3 : i32
    "tpu.region"() ({
      %run_scoped3A = tpu.sem_alloc : memref<!tpu.dma_semaphore, #tpu.memory_space<semaphore_mem>>
      %dma_start3A_83 = arith.constant 0 : i32
      %dma_start3A_84 = tpu.memref_slice %arg3[%mul3A_4, %dma_start3A_83] : memref<128x128xi32, #tpu.memory_space<hbm>> -> memref<4x128xi32, #tpu.memory_space<hbm>>
      %dma_start3A_85 = arith.constant 0 : i32
      %dma_start3A_86 = tpu.memref_slice %arg3[%mul3A_4, %dma_start3A_85] : memref<128x128xi32, #tpu.memory_space<hbm>> -> memref<4x128xi32, #tpu.memory_space<hbm>>
      tpu.enqueue_dma source(%dma_start3A_86 : memref<4x128xi32, #tpu.memory_space<hbm>>) target(%arg5 : memref<4x128xi32, #tpu.memory_space<vmem>>) target_semaphore(%run_scoped3A : memref<!tpu.dma_semaphore, #tpu.memory_space<semaphore_mem>>)
      %dma_wait3A_87 = arith.constant 0 : i32
      %dma_wait3A_88 = tpu.memref_slice %arg3[%mul3A_4, %dma_wait3A_87] : memref<128x128xi32, #tpu.memory_space<hbm>> -> memref<4x128xi32, #tpu.memory_space<hbm>>
      %dma_wait3A_89 = arith.constant 0 : i32
      %dma_wait3A_90 = tpu.memref_slice %arg3[%mul3A_4, %dma_wait3A_89] : memref<128x128xi32, #tpu.memory_space<hbm>> -> memref<4x128xi32, #tpu.memory_space<hbm>>
      tpu.wait_dma2 semaphore(%run_scoped3A : memref<!tpu.dma_semaphore, #tpu.memory_space<semaphore_mem>>) src(%dma_wait3A_90 : memref<4x128xi32, #tpu.memory_space<hbm>>) dst(%arg5 : memref<4x128xi32, #tpu.memory_space<vmem>>)
      tpu.yield
    }) : () -> ()
    %dma_start3A = arith.constant 0 : i32
    %dma_start3A_5 = arith.constant 0 : i32
    %dma_start3A_6 = arith.constant 0 : i32
    %dma_start3A_7 = tpu.memref_slice %arg6[%dma_start3A_5, %dma_start3A_6] : memref<512x128xf32, #tpu.memory_space<vmem>> -> memref<128x128xf32, #tpu.memory_space<vmem>>
    %dma_start3A_8 = arith.constant 0 : i32
    %dma_start3A_9 = tpu.memref_slice %arg5[%dma_start3A, %dma_start3A_8] : memref<4x128xi32, #tpu.memory_space<vmem>> -> memref<1x128xi32, #tpu.memory_space<vmem>>
    %dma_start3A_10 = tpu.memref_squeeze %dma_start3A_9 : memref<1x128xi32, #tpu.memory_space<vmem>> -> memref<128xi32, #tpu.memory_space<vmem>>
    %dma_start3A_11 = arith.constant 0 : i32
    %dma_start3A_12 = arith.constant 0 : i32
    %dma_start3A_13 = tpu.memref_slice %arg2[%dma_start3A_11, %dma_start3A_12] : memref<1024x128xf32, #tpu.memory_space<hbm>> -> memref<1024x128xf32, #tpu.memory_space<hbm>>
    tpu.enqueue_indirect_dma source(%dma_start3A_13 : memref<1024x128xf32, #tpu.memory_space<hbm>>) target(%dma_start3A_7 : memref<128x128xf32, #tpu.memory_space<vmem>>) offsets(%dma_start3A_10 : memref<128xi32, #tpu.memory_space<vmem>>) semaphore(%arg7 : memref<!tpu.dma_semaphore, #tpu.memory_space<semaphore_mem>>)
    %dma_wait3A = arith.constant 0 : i32
    %dma_wait3A_14 = arith.constant 0 : i32
    %dma_wait3A_15 = arith.constant 0 : i32
    %dma_wait3A_16 = tpu.memref_slice %arg6[%dma_wait3A_14, %dma_wait3A_15] : memref<512x128xf32, #tpu.memory_space<vmem>> -> memref<128x128xf32, #tpu.memory_space<vmem>>
    %dma_wait3A_17 = arith.constant 0 : i32
    %dma_wait3A_18 = tpu.memref_slice %arg5[%dma_wait3A, %dma_wait3A_17] : memref<4x128xi32, #tpu.memory_space<vmem>> -> memref<1x128xi32, #tpu.memory_space<vmem>>
    %dma_wait3A_19 = tpu.memref_squeeze %dma_wait3A_18 : memref<1x128xi32, #tpu.memory_space<vmem>> -> memref<128xi32, #tpu.memory_space<vmem>>
    %dma_wait3A_20 = arith.constant 0 : i32
    %dma_wait3A_21 = arith.constant 0 : i32
    %dma_wait3A_22 = tpu.memref_slice %arg2[%dma_wait3A_20, %dma_wait3A_21] : memref<1024x128xf32, #tpu.memory_space<hbm>> -> memref<1024x128xf32, #tpu.memory_space<hbm>>
    tpu.wait_indirect_dma semaphore(%arg7 : memref<!tpu.dma_semaphore, #tpu.memory_space<semaphore_mem>>) src(%dma_wait3A_22 : memref<1024x128xf32, #tpu.memory_space<hbm>>) dst(%dma_wait3A_16 : memref<128x128xf32, #tpu.memory_space<vmem>>)
    %dma_start3A_23 = arith.constant 1 : i32
    %dma_start3A_24 = arith.constant 128 : i32
    %dma_start3A_25 = arith.constant 0 : i32
    %dma_start3A_26 = tpu.memref_slice %arg6[%dma_start3A_24, %dma_start3A_25] : memref<512x128xf32, #tpu.memory_space<vmem>> -> memref<128x128xf32, #tpu.memory_space<vmem>>
    %dma_start3A_27 = arith.constant 0 : i32
    %dma_start3A_28 = tpu.memref_slice %arg5[%dma_start3A_23, %dma_start3A_27] : memref<4x128xi32, #tpu.memory_space<vmem>> -> memref<1x128xi32, #tpu.memory_space<vmem>>
    %dma_start3A_29 = tpu.memref_squeeze %dma_start3A_28 : memref<1x128xi32, #tpu.memory_space<vmem>> -> memref<128xi32, #tpu.memory_space<vmem>>
    %dma_start3A_30 = arith.constant 0 : i32
    %dma_start3A_31 = arith.constant 0 : i32
    %dma_start3A_32 = tpu.memref_slice %arg2[%dma_start3A_30, %dma_start3A_31] : memref<1024x128xf32, #tpu.memory_space<hbm>> -> memref<1024x128xf32, #tpu.memory_space<hbm>>
    tpu.enqueue_indirect_dma source(%dma_start3A_32 : memref<1024x128xf32, #tpu.memory_space<hbm>>) target(%dma_start3A_26 : memref<128x128xf32, #tpu.memory_space<vmem>>) offsets(%dma_start3A_29 : memref<128xi32, #tpu.memory_space<vmem>>) semaphore(%arg7 : memref<!tpu.dma_semaphore, #tpu.memory_space<semaphore_mem>>)
    %dma_wait3A_33 = arith.constant 1 : i32
    %dma_wait3A_34 = arith.constant 128 : i32
    %dma_wait3A_35 = arith.constant 0 : i32
    %dma_wait3A_36 = tpu.memref_slice %arg6[%dma_wait3A_34, %dma_wait3A_35] : memref<512x128xf32, #tpu.memory_space<vmem>> -> memref<128x128xf32, #tpu.memory_space<vmem>>
    %dma_wait3A_37 = arith.constant 0 : i32
    %dma_wait3A_38 = tpu.memref_slice %arg5[%dma_wait3A_33, %dma_wait3A_37] : memref<4x128xi32, #tpu.memory_space<vmem>> -> memref<1x128xi32, #tpu.memory_space<vmem>>
    %dma_wait3A_39 = tpu.memref_squeeze %dma_wait3A_38 : memref<1x128xi32, #tpu.memory_space<vmem>> -> memref<128xi32, #tpu.memory_space<vmem>>
    %dma_wait3A_40 = arith.constant 0 : i32
    %dma_wait3A_41 = arith.constant 0 : i32
    %dma_wait3A_42 = tpu.memref_slice %arg2[%dma_wait3A_40, %dma_wait3A_41] : memref<1024x128xf32, #tpu.memory_space<hbm>> -> memref<1024x128xf32, #tpu.memory_space<hbm>>
    tpu.wait_indirect_dma semaphore(%arg7 : memref<!tpu.dma_semaphore, #tpu.memory_space<semaphore_mem>>) src(%dma_wait3A_42 : memref<1024x128xf32, #tpu.memory_space<hbm>>) dst(%dma_wait3A_36 : memref<128x128xf32, #tpu.memory_space<vmem>>)
    %dma_start3A_43 = arith.constant 2 : i32
    %dma_start3A_44 = arith.constant 256 : i32
    %dma_start3A_45 = arith.constant 0 : i32
    %dma_start3A_46 = tpu.memref_slice %arg6[%dma_start3A_44, %dma_start3A_45] : memref<512x128xf32, #tpu.memory_space<vmem>> -> memref<128x128xf32, #tpu.memory_space<vmem>>
    %dma_start3A_47 = arith.constant 0 : i32
    %dma_start3A_48 = tpu.memref_slice %arg5[%dma_start3A_43, %dma_start3A_47] : memref<4x128xi32, #tpu.memory_space<vmem>> -> memref<1x128xi32, #tpu.memory_space<vmem>>
    %dma_start3A_49 = tpu.memref_squeeze %dma_start3A_48 : memref<1x128xi32, #tpu.memory_space<vmem>> -> memref<128xi32, #tpu.memory_space<vmem>>
    %dma_start3A_50 = arith.constant 0 : i32
    %dma_start3A_51 = arith.constant 0 : i32
    %dma_start3A_52 = tpu.memref_slice %arg2[%dma_start3A_50, %dma_start3A_51] : memref<1024x128xf32, #tpu.memory_space<hbm>> -> memref<1024x128xf32, #tpu.memory_space<hbm>>
    tpu.enqueue_indirect_dma source(%dma_start3A_52 : memref<1024x128xf32, #tpu.memory_space<hbm>>) target(%dma_start3A_46 : memref<128x128xf32, #tpu.memory_space<vmem>>) offsets(%dma_start3A_49 : memref<128xi32, #tpu.memory_space<vmem>>) semaphore(%arg7 : memref<!tpu.dma_semaphore, #tpu.memory_space<semaphore_mem>>)
    %dma_wait3A_53 = arith.constant 2 : i32
    %dma_wait3A_54 = arith.constant 256 : i32
    %dma_wait3A_55 = arith.constant 0 : i32
    %dma_wait3A_56 = tpu.memref_slice %arg6[%dma_wait3A_54, %dma_wait3A_55] : memref<512x128xf32, #tpu.memory_space<vmem>> -> memref<128x128xf32, #tpu.memory_space<vmem>>
    %dma_wait3A_57 = arith.constant 0 : i32
    %dma_wait3A_58 = tpu.memref_slice %arg5[%dma_wait3A_53, %dma_wait3A_57] : memref<4x128xi32, #tpu.memory_space<vmem>> -> memref<1x128xi32, #tpu.memory_space<vmem>>
    %dma_wait3A_59 = tpu.memref_squeeze %dma_wait3A_58 : memref<1x128xi32, #tpu.memory_space<vmem>> -> memref<128xi32, #tpu.memory_space<vmem>>
    %dma_wait3A_60 = arith.constant 0 : i32
    %dma_wait3A_61 = arith.constant 0 : i32
    %dma_wait3A_62 = tpu.memref_slice %arg2[%dma_wait3A_60, %dma_wait3A_61] : memref<1024x128xf32, #tpu.memory_space<hbm>> -> memref<1024x128xf32, #tpu.memory_space<hbm>>
    tpu.wait_indirect_dma semaphore(%arg7 : memref<!tpu.dma_semaphore, #tpu.memory_space<semaphore_mem>>) src(%dma_wait3A_62 : memref<1024x128xf32, #tpu.memory_space<hbm>>) dst(%dma_wait3A_56 : memref<128x128xf32, #tpu.memory_space<vmem>>)
    %dma_start3A_63 = arith.constant 3 : i32
    %dma_start3A_64 = arith.constant 384 : i32
    %dma_start3A_65 = arith.constant 0 : i32
    %dma_start3A_66 = tpu.memref_slice %arg6[%dma_start3A_64, %dma_start3A_65] : memref<512x128xf32, #tpu.memory_space<vmem>> -> memref<128x128xf32, #tpu.memory_space<vmem>>
    %dma_start3A_67 = arith.constant 0 : i32
    %dma_start3A_68 = tpu.memref_slice %arg5[%dma_start3A_63, %dma_start3A_67] : memref<4x128xi32, #tpu.memory_space<vmem>> -> memref<1x128xi32, #tpu.memory_space<vmem>>
    %dma_start3A_69 = tpu.memref_squeeze %dma_start3A_68 : memref<1x128xi32, #tpu.memory_space<vmem>> -> memref<128xi32, #tpu.memory_space<vmem>>
    %dma_start3A_70 = arith.constant 0 : i32
    %dma_start3A_71 = arith.constant 0 : i32
    %dma_start3A_72 = tpu.memref_slice %arg2[%dma_start3A_70, %dma_start3A_71] : memref<1024x128xf32, #tpu.memory_space<hbm>> -> memref<1024x128xf32, #tpu.memory_space<hbm>>
    tpu.enqueue_indirect_dma source(%dma_start3A_72 : memref<1024x128xf32, #tpu.memory_space<hbm>>) target(%dma_start3A_66 : memref<128x128xf32, #tpu.memory_space<vmem>>) offsets(%dma_start3A_69 : memref<128xi32, #tpu.memory_space<vmem>>) semaphore(%arg7 : memref<!tpu.dma_semaphore, #tpu.memory_space<semaphore_mem>>)
    %dma_wait3A_73 = arith.constant 3 : i32
    %dma_wait3A_74 = arith.constant 384 : i32
    %dma_wait3A_75 = arith.constant 0 : i32
    %dma_wait3A_76 = tpu.memref_slice %arg6[%dma_wait3A_74, %dma_wait3A_75] : memref<512x128xf32, #tpu.memory_space<vmem>> -> memref<128x128xf32, #tpu.memory_space<vmem>>
    %dma_wait3A_77 = arith.constant 0 : i32
    %dma_wait3A_78 = tpu.memref_slice %arg5[%dma_wait3A_73, %dma_wait3A_77] : memref<4x128xi32, #tpu.memory_space<vmem>> -> memref<1x128xi32, #tpu.memory_space<vmem>>
    %dma_wait3A_79 = tpu.memref_squeeze %dma_wait3A_78 : memref<1x128xi32, #tpu.memory_space<vmem>> -> memref<128xi32, #tpu.memory_space<vmem>>
    %dma_wait3A_80 = arith.constant 0 : i32
    %dma_wait3A_81 = arith.constant 0 : i32
    %dma_wait3A_82 = tpu.memref_slice %arg2[%dma_wait3A_80, %dma_wait3A_81] : memref<1024x128xf32, #tpu.memory_space<hbm>> -> memref<1024x128xf32, #tpu.memory_space<hbm>>
    tpu.wait_indirect_dma semaphore(%arg7 : memref<!tpu.dma_semaphore, #tpu.memory_space<semaphore_mem>>) src(%dma_wait3A_82 : memref<1024x128xf32, #tpu.memory_space<hbm>>) dst(%dma_wait3A_76 : memref<128x128xf32, #tpu.memory_space<vmem>>)
    "tpu.region"() ({
      %run_scoped3A = tpu.sem_alloc : memref<!tpu.dma_semaphore, #tpu.memory_space<semaphore_mem>>
      %dma_start3A_83 = arith.constant 0 : i32
      %dma_start3A_84 = tpu.memref_slice %arg4[%mul3A_2, %dma_start3A_83] : memref<16384x128xf32, #tpu.memory_space<hbm>> -> memref<512x128xf32, #tpu.memory_space<hbm>>
      %dma_start3A_85 = arith.constant 0 : i32
      %dma_start3A_86 = tpu.memref_slice %arg4[%mul3A_2, %dma_start3A_85] : memref<16384x128xf32, #tpu.memory_space<hbm>> -> memref<512x128xf32, #tpu.memory_space<hbm>>
      tpu.enqueue_dma source(%arg6 : memref<512x128xf32, #tpu.memory_space<vmem>>) target(%dma_start3A_86 : memref<512x128xf32, #tpu.memory_space<hbm>>) target_semaphore(%run_scoped3A : memref<!tpu.dma_semaphore, #tpu.memory_space<semaphore_mem>>)
      %dma_wait3A_87 = arith.constant 0 : i32
      %dma_wait3A_88 = tpu.memref_slice %arg4[%mul3A_2, %dma_wait3A_87] : memref<16384x128xf32, #tpu.memory_space<hbm>> -> memref<512x128xf32, #tpu.memory_space<hbm>>
      %dma_wait3A_89 = arith.constant 0 : i32
      %dma_wait3A_90 = tpu.memref_slice %arg4[%mul3A_2, %dma_wait3A_89] : memref<16384x128xf32, #tpu.memory_space<hbm>> -> memref<512x128xf32, #tpu.memory_space<hbm>>
      tpu.wait_dma2 semaphore(%run_scoped3A : memref<!tpu.dma_semaphore, #tpu.memory_space<semaphore_mem>>) src(%arg6 : memref<512x128xf32, #tpu.memory_space<vmem>>) dst(%dma_wait3A_90 : memref<512x128xf32, #tpu.memory_space<hbm>>)
      tpu.yield
    }) : () -> ()
    return
  }
}

module attributes {stable_mosaic.version = 14 : i64} {
  func.func @_tc2_body(%arg0: i32, %arg1: memref<1x64x1024xf32, #tpu.memory_space<vmem>>, %arg2: memref<1x1024x128xf32, #tpu.memory_space<vmem>>, %arg3: memref<1x64x1024xf32, #tpu.memory_space<vmem>>) attributes {dimension_semantics = [#tpu.dimension_semantics<arbitrary>], iteration_bounds = array<i64: 16>, scalar_prefetch = 0 : i64, scratch_operands = 0 : i64, tpu.core_type = #tpu.core_type<tc>, window_params = [{transform_indices = @transform_0, window_bounds = array<i64: 1, 64, 1024>}, {transform_indices = @transform_1, window_bounds = array<i64: 1, 1024, 128>}, {transform_indices = @transform_2, window_bounds = array<i64: 1, 64, 1024>}]} {
    %get3A = arith.constant 0 : index
    %get3A_0 = arith.constant 0 : index
    %get3A_1 = arith.constant 0 : index
    %get3A_2 = vector.load %arg1[%get3A, %get3A_0, %get3A_1] : memref<1x64x1024xf32, #tpu.memory_space<vmem>>, vector<1x64x1024xf32>
    %get3A_3 = vector.shape_cast %get3A_2 : vector<1x64x1024xf32> to vector<64x1024xf32>
    %get3A_4 = arith.constant 0 : index
    %get3A_5 = arith.constant 0 : index
    %get3A_6 = arith.constant 0 : index
    %get3A_7 = vector.load %arg2[%get3A_4, %get3A_5, %get3A_6] : memref<1x1024x128xf32, #tpu.memory_space<vmem>>, vector<1x1024x128xf32>
    %get3A_8 = vector.shape_cast %get3A_7 : vector<1x1024x128xf32> to vector<1024x128xf32>
    %slice3A = vector.extract_strided_slice %get3A_8 {offsets = [0, 0], sizes = [1024, 64], strides = [1, 1]} : vector<1024x128xf32> to vector<1024x64xf32>
    %transpose3A = tpu.transpose %slice3A, [1, 0] : vector<1024x64xf32> -> vector<64x1024xf32>
    %sub3A = arith.subf %transpose3A, %get3A_3 : vector<64x1024xf32>
    %add3A = arith.addf %get3A_3, %sub3A : vector<64x1024xf32>
    %swap3A = arith.constant 0 : index
    %swap3A_9 = arith.constant 0 : index
    %swap3A_10 = arith.constant 0 : index
    %swap3A_11 = vector.load %arg3[%swap3A, %swap3A_9, %swap3A_10] : memref<1x64x1024xf32, #tpu.memory_space<vmem>>, vector<1x64x1024xf32>
    %swap3A_12 = vector.shape_cast %swap3A_11 : vector<1x64x1024xf32> to vector<64x1024xf32>
    %swap3A_13 = vector.shape_cast %add3A : vector<64x1024xf32> to vector<1x64x1024xf32>
    tpu.vector_store %arg3[%swap3A, %swap3A_9, %swap3A_10], %swap3A_13 {strides = array<i32>} : memref<1x64x1024xf32, #tpu.memory_space<vmem>>, vector<1x64x1024xf32>,
    return
  }
  func.func @transform_0(%arg0: i32) -> (i32, i32, i32) {
    %c0_i32 = arith.constant 0 : i32
    %c0_i32_0 = arith.constant 0 : i32
    %c0_i32_1 = arith.constant 0 : i32
    return %arg0, %c0_i32, %c0_i32_0 : i32, i32, i32
  }
  func.func @transform_1(%arg0: i32) -> (i32, i32, i32) {
    %c0_i32 = arith.constant 0 : i32
    %c0_i32_0 = arith.constant 0 : i32
    %c0_i32_1 = arith.constant 0 : i32
    return %arg0, %c0_i32, %c0_i32_0 : i32, i32, i32
  }
  func.func @transform_2(%arg0: i32) -> (i32, i32, i32) {
    %c0_i32 = arith.constant 0 : i32
    %c0_i32_0 = arith.constant 0 : i32
    %c0_i32_1 = arith.constant 0 : i32
    return %arg0, %c0_i32, %c0_i32_0 : i32, i32, i32
  }
}

module attributes {stable_mosaic.version = 14 : i64} {
  func.func @_tc1_body(%arg0: i32, %arg1: memref<8x64x1024xf32, #tpu.memory_space<vmem>>, %arg2: memref<64x1024xf32, #tpu.memory_space<vmem>>, %arg3: memref<8x1024xi32, #tpu.memory_space<vmem>>, %arg4: memref<1x1xf32, #tpu.memory_space<vmem>>, %arg5: memref<1024x1xf32, #tpu.memory_space<vmem>>) attributes {dimension_semantics = [#tpu.dimension_semantics<arbitrary>], iteration_bounds = array<i64: 2>, scalar_prefetch = 0 : i64, scratch_operands = 1 : i64, tpu.core_type = #tpu.core_type<tc>, window_params = [{transform_indices = @transform_0, window_bounds = array<i64: 8, 64, 1024>}, {pipeline_mode = #tpu.pipeline_mode<synchronous>, transform_indices = @transform_1, window_bounds = array<i64: 64, 1024>}, {transform_indices = @transform_2, window_bounds = array<i64: 8, 1024>}, {pipeline_mode = #tpu.pipeline_mode<synchronous>, transform_indices = @transform_3, window_bounds = array<i64: 1, 1>}]} {
    %get3A = arith.constant 0 : index
    %get3A_0 = arith.constant 0 : index
    %get3A_1 = vector.load %arg2[%get3A, %get3A_0] : memref<64x1024xf32, #tpu.memory_space<vmem>>, vector<64x1024xf32>
    %convert_element_type3A = arith.truncf %get3A_1 : vector<64x1024xf32> to vector<64x1024xbf16>
    %mul3A = arith.constant -2.000000e+00 : bf16
    %mul3A_2 = vector.broadcast %mul3A : bf16 to vector<64x1024xbf16>
    %mul3A_3 = arith.mulf %convert_element_type3A, %mul3A_2 : vector<64x1024xbf16>
    %mul3A_4 = arith.mulf %get3A_1, %get3A_1 : vector<64x1024xf32>
    %reduce_sum3A = arith.constant dense<0.000000e+00> : vector<1024xf32>
    %reduce_sum3A_5 = vector.multi_reduction <add>, %mul3A_4, %reduce_sum3A [0] : vector<64x1024xf32> to vector<1024xf32>
    %broadcast_in_dim3A = vector.shape_cast %reduce_sum3A_5 : vector<1024xf32> to vector<1x1024xf32>
    %transpose3A = tpu.transpose %broadcast_in_dim3A, [1, 0] : vector<1x1024xf32> -> vector<1024x1xf32>
    %eq3A = arith.constant 0 : i32
    %eq3A_6 = arith.cmpi eq, %arg0, %eq3A : i32
    %convert_element_type3A_7 = arith.extui %eq3A_6 : i1 to i32
    %cond3A = arith.constant 0 : i32
    %cond3A_8 = arith.cmpi ne, %convert_element_type3A_7, %cond3A : i32
    scf.if %cond3A_8 {
      %broadcast_in_dim3A_290 = arith.constant 0.000000e+00 : f32
      %broadcast_in_dim3A_291 = vector.broadcast %broadcast_in_dim3A_290 : f32 to vector<1024x1xf32>
      %swap3A_292 = arith.constant 0 : index
      %swap3A_293 = arith.constant 0 : index
      %swap3A_294 = vector.load %arg5[%swap3A_292, %swap3A_293] : memref<1024x1xf32, #tpu.memory_space<vmem>>, vector<1024x1xf32>
      tpu.vector_store %arg5[%swap3A_292, %swap3A_293], %broadcast_in_dim3A_291 {strides = array<i32>} : memref<1024x1xf32, #tpu.memory_space<vmem>>, vector<1024x1xf32>,
    } else {
    }
    %broadcast_in_dim3A_9 = arith.constant 0.000000e+00 : f32
    %broadcast_in_dim3A_10 = vector.broadcast %broadcast_in_dim3A_9 : f32 to vector<1024x1xf32>
    %get3A_11 = arith.constant 0 : index
    %get3A_12 = arith.constant 0 : index
    %get3A_13 = arith.constant 0 : index
    %get3A_14 = vector.load %arg1[%get3A_11, %get3A_12, %get3A_13] : memref<8x64x1024xf32, #tpu.memory_space<vmem>>, vector<1x64x1024xf32>
    %get3A_15 = vector.shape_cast %get3A_14 : vector<1x64x1024xf32> to vector<64x1024xf32>
    %convert_element_type3A_16 = arith.truncf %get3A_15 : vector<64x1024xf32> to vector<64x1024xbf16>
    %dot_general3A = arith.constant dense<0.000000e+00> : vector<1024x1024xf32>
    %dot_general3A_17 = tpu.matmul %mul3A_3, %convert_element_type3A_16, %dot_general3A {dimension_numbers = #tpu.dot_dimension_numbers<[0], [0], [1], [1], [0, 1, 1, 1], [], []>, transpose_lhs_hint = false} : vector<64x1024xbf16>, vector<64x1024xbf16>, vector<1024x1024xf32> -> vector<1024x1024xf32>
    %mul3A_18 = arith.mulf %get3A_15, %get3A_15 : vector<64x1024xf32>
    %reduce_sum3A_19 = arith.constant dense<0.000000e+00> : vector<1024xf32>
    %reduce_sum3A_20 = vector.multi_reduction <add>, %mul3A_18, %reduce_sum3A_19 [0] : vector<64x1024xf32> to vector<1024xf32>
    %broadcast_in_dim3A_21 = vector.shape_cast %reduce_sum3A_20 : vector<1024xf32> to vector<1x1024xf32>
    %add3A = vector.broadcast %broadcast_in_dim3A_21 : vector<1x1024xf32> to vector<1024x1024xf32>
    %add3A_22 = arith.addf %add3A, %dot_general3A_17 : vector<1024x1024xf32>
    %add3A_23 = vector.broadcast %transpose3A : vector<1024x1xf32> to vector<1024x1024xf32>
    %add3A_24 = arith.addf %add3A_22, %add3A_23 : vector<1024x1024xf32>
    %argmin3A = tpu.reduce_index %add3A_24 {axis = 0 : i32, kind = #tpu.reduction_kind<arg_min>} : vector<1024x1024xf32> -> vector<1024xi32>
    %swap3A = arith.constant 0 : index
    %swap3A_25 = arith.constant 0 : index
    %swap3A_26 = vector.load %arg3[%swap3A, %swap3A_25] : memref<8x1024xi32, #tpu.memory_space<vmem>>, vector<1x1024xi32>
    %swap3A_27 = vector.shape_cast %swap3A_26 : vector<1x1024xi32> to vector<1024xi32>
    %swap3A_28 = vector.shape_cast %argmin3A : vector<1024xi32> to vector<1x1024xi32>
    tpu.vector_store %arg3[%swap3A, %swap3A_25], %swap3A_28 {strides = array<i32>} : memref<8x1024xi32, #tpu.memory_space<vmem>>, vector<1x1024xi32>,
    %iota3A = tpu.iota {dimensions = array<i32: 0>} : vector<1024x1024xi32>
    %broadcast_in_dim3A_29 = vector.shape_cast %argmin3A : vector<1024xi32> to vector<1x1024xi32>
    %eq3A_30 = vector.broadcast %broadcast_in_dim3A_29 : vector<1x1024xi32> to vector<1024x1024xi32>
    %eq3A_31 = arith.cmpi eq, %iota3A, %eq3A_30 : vector<1024x1024xi32>
    %convert_element_type3A_32 = arith.extui %eq3A_31 : vector<1024x1024xi1> to vector<1024x1024xi32>
    %convert_element_type3A_33 = arith.sitofp %convert_element_type3A_32 : vector<1024x1024xi32> to vector<1024x1024xf32>
    %convert_element_type3A_34 = arith.truncf %convert_element_type3A_33 : vector<1024x1024xf32> to vector<1024x1024xbf16>
    %broadcast_in_dim3A_35 = arith.constant 1.000000e+00 : bf16
    %broadcast_in_dim3A_36 = vector.broadcast %broadcast_in_dim3A_35 : bf16 to vector<1024x1xbf16>
    %dot_general3A_37 = arith.constant dense<0.000000e+00> : vector<1024x1xf32>
    %dot_general3A_38 = tpu.matmul %convert_element_type3A_34, %broadcast_in_dim3A_36, %dot_general3A_37 {dimension_numbers = #tpu.dot_dimension_numbers<[1], [0], [0], [1], [0, 0, 1, 1], [], []>, transpose_lhs_hint = false} : vector<1024x1024xbf16>, vector<1024x1xbf16>, vector<1024x1xf32> -> vector<1024x1xf32>
    %add3A_39 = arith.addf %broadcast_in_dim3A_10, %dot_general3A_38 : vector<1024x1xf32>
    %get3A_40 = arith.constant 1 : index
    %get3A_41 = arith.constant 0 : index
    %get3A_42 = arith.constant 0 : index
    %get3A_43 = vector.load %arg1[%get3A_40, %get3A_41, %get3A_42] : memref<8x64x1024xf32, #tpu.memory_space<vmem>>, vector<1x64x1024xf32>
    %get3A_44 = vector.shape_cast %get3A_43 : vector<1x64x1024xf32> to vector<64x1024xf32>
    %convert_element_type3A_45 = arith.truncf %get3A_44 : vector<64x1024xf32> to vector<64x1024xbf16>
    %dot_general3A_46 = arith.constant dense<0.000000e+00> : vector<1024x1024xf32>
    %dot_general3A_47 = tpu.matmul %mul3A_3, %convert_element_type3A_45, %dot_general3A_46 {dimension_numbers = #tpu.dot_dimension_numbers<[0], [0], [1], [1], [0, 1, 1, 1], [], []>, transpose_lhs_hint = false} : vector<64x1024xbf16>, vector<64x1024xbf16>, vector<1024x1024xf32> -> vector<1024x1024xf32>
    %mul3A_48 = arith.mulf %get3A_44, %get3A_44 : vector<64x1024xf32>
    %reduce_sum3A_49 = arith.constant dense<0.000000e+00> : vector<1024xf32>
    %reduce_sum3A_50 = vector.multi_reduction <add>, %mul3A_48, %reduce_sum3A_49 [0] : vector<64x1024xf32> to vector<1024xf32>
    %broadcast_in_dim3A_51 = vector.shape_cast %reduce_sum3A_50 : vector<1024xf32> to vector<1x1024xf32>
    %add3A_52 = vector.broadcast %broadcast_in_dim3A_51 : vector<1x1024xf32> to vector<1024x1024xf32>
    %add3A_53 = arith.addf %add3A_52, %dot_general3A_47 : vector<1024x1024xf32>
    %add3A_54 = vector.broadcast %transpose3A : vector<1024x1xf32> to vector<1024x1024xf32>
    %add3A_55 = arith.addf %add3A_53, %add3A_54 : vector<1024x1024xf32>
    %argmin3A_56 = tpu.reduce_index %add3A_55 {axis = 0 : i32, kind = #tpu.reduction_kind<arg_min>} : vector<1024x1024xf32> -> vector<1024xi32>
    %swap3A_57 = arith.constant 1 : index
    %swap3A_58 = arith.constant 0 : index
    %swap3A_59 = vector.load %arg3[%swap3A_57, %swap3A_58] : memref<8x1024xi32, #tpu.memory_space<vmem>>, vector<1x1024xi32>
    %swap3A_60 = vector.shape_cast %swap3A_59 : vector<1x1024xi32> to vector<1024xi32>
    %swap3A_61 = vector.shape_cast %argmin3A_56 : vector<1024xi32> to vector<1x1024xi32>
    tpu.vector_store %arg3[%swap3A_57, %swap3A_58], %swap3A_61 {strides = array<i32>} : memref<8x1024xi32, #tpu.memory_space<vmem>>, vector<1x1024xi32>,
    %iota3A_62 = tpu.iota {dimensions = array<i32: 0>} : vector<1024x1024xi32>
    %broadcast_in_dim3A_63 = vector.shape_cast %argmin3A_56 : vector<1024xi32> to vector<1x1024xi32>
    %eq3A_64 = vector.broadcast %broadcast_in_dim3A_63 : vector<1x1024xi32> to vector<1024x1024xi32>
    %eq3A_65 = arith.cmpi eq, %iota3A_62, %eq3A_64 : vector<1024x1024xi32>
    %convert_element_type3A_66 = arith.extui %eq3A_65 : vector<1024x1024xi1> to vector<1024x1024xi32>
    %convert_element_type3A_67 = arith.sitofp %convert_element_type3A_66 : vector<1024x1024xi32> to vector<1024x1024xf32>
    %convert_element_type3A_68 = arith.truncf %convert_element_type3A_67 : vector<1024x1024xf32> to vector<1024x1024xbf16>
    %broadcast_in_dim3A_69 = arith.constant 1.000000e+00 : bf16
    %broadcast_in_dim3A_70 = vector.broadcast %broadcast_in_dim3A_69 : bf16 to vector<1024x1xbf16>
    %dot_general3A_71 = arith.constant dense<0.000000e+00> : vector<1024x1xf32>
    %dot_general3A_72 = tpu.matmul %convert_element_type3A_68, %broadcast_in_dim3A_70, %dot_general3A_71 {dimension_numbers = #tpu.dot_dimension_numbers<[1], [0], [0], [1], [0, 0, 1, 1], [], []>, transpose_lhs_hint = false} : vector<1024x1024xbf16>, vector<1024x1xbf16>, vector<1024x1xf32> -> vector<1024x1xf32>
    %add3A_73 = arith.addf %add3A_39, %dot_general3A_72 : vector<1024x1xf32>
    %get3A_74 = arith.constant 2 : index
    %get3A_75 = arith.constant 0 : index
    %get3A_76 = arith.constant 0 : index
    %get3A_77 = vector.load %arg1[%get3A_74, %get3A_75, %get3A_76] : memref<8x64x1024xf32, #tpu.memory_space<vmem>>, vector<1x64x1024xf32>
    %get3A_78 = vector.shape_cast %get3A_77 : vector<1x64x1024xf32> to vector<64x1024xf32>
    %convert_element_type3A_79 = arith.truncf %get3A_78 : vector<64x1024xf32> to vector<64x1024xbf16>
    %dot_general3A_80 = arith.constant dense<0.000000e+00> : vector<1024x1024xf32>
    %dot_general3A_81 = tpu.matmul %mul3A_3, %convert_element_type3A_79, %dot_general3A_80 {dimension_numbers = #tpu.dot_dimension_numbers<[0], [0], [1], [1], [0, 1, 1, 1], [], []>, transpose_lhs_hint = false} : vector<64x1024xbf16>, vector<64x1024xbf16>, vector<1024x1024xf32> -> vector<1024x1024xf32>
    %mul3A_82 = arith.mulf %get3A_78, %get3A_78 : vector<64x1024xf32>
    %reduce_sum3A_83 = arith.constant dense<0.000000e+00> : vector<1024xf32>
    %reduce_sum3A_84 = vector.multi_reduction <add>, %mul3A_82, %reduce_sum3A_83 [0] : vector<64x1024xf32> to vector<1024xf32>
    %broadcast_in_dim3A_85 = vector.shape_cast %reduce_sum3A_84 : vector<1024xf32> to vector<1x1024xf32>
    %add3A_86 = vector.broadcast %broadcast_in_dim3A_85 : vector<1x1024xf32> to vector<1024x1024xf32>
    %add3A_87 = arith.addf %add3A_86, %dot_general3A_81 : vector<1024x1024xf32>
    %add3A_88 = vector.broadcast %transpose3A : vector<1024x1xf32> to vector<1024x1024xf32>
    %add3A_89 = arith.addf %add3A_87, %add3A_88 : vector<1024x1024xf32>
    %argmin3A_90 = tpu.reduce_index %add3A_89 {axis = 0 : i32, kind = #tpu.reduction_kind<arg_min>} : vector<1024x1024xf32> -> vector<1024xi32>
    %swap3A_91 = arith.constant 2 : index
    %swap3A_92 = arith.constant 0 : index
    %swap3A_93 = vector.load %arg3[%swap3A_91, %swap3A_92] : memref<8x1024xi32, #tpu.memory_space<vmem>>, vector<1x1024xi32>
    %swap3A_94 = vector.shape_cast %swap3A_93 : vector<1x1024xi32> to vector<1024xi32>
    %swap3A_95 = vector.shape_cast %argmin3A_90 : vector<1024xi32> to vector<1x1024xi32>
    tpu.vector_store %arg3[%swap3A_91, %swap3A_92], %swap3A_95 {strides = array<i32>} : memref<8x1024xi32, #tpu.memory_space<vmem>>, vector<1x1024xi32>,
    %iota3A_96 = tpu.iota {dimensions = array<i32: 0>} : vector<1024x1024xi32>
    %broadcast_in_dim3A_97 = vector.shape_cast %argmin3A_90 : vector<1024xi32> to vector<1x1024xi32>
    %eq3A_98 = vector.broadcast %broadcast_in_dim3A_97 : vector<1x1024xi32> to vector<1024x1024xi32>
    %eq3A_99 = arith.cmpi eq, %iota3A_96, %eq3A_98 : vector<1024x1024xi32>
    %convert_element_type3A_100 = arith.extui %eq3A_99 : vector<1024x1024xi1> to vector<1024x1024xi32>
    %convert_element_type3A_101 = arith.sitofp %convert_element_type3A_100 : vector<1024x1024xi32> to vector<1024x1024xf32>
    %convert_element_type3A_102 = arith.truncf %convert_element_type3A_101 : vector<1024x1024xf32> to vector<1024x1024xbf16>
    %broadcast_in_dim3A_103 = arith.constant 1.000000e+00 : bf16
    %broadcast_in_dim3A_104 = vector.broadcast %broadcast_in_dim3A_103 : bf16 to vector<1024x1xbf16>
    %dot_general3A_105 = arith.constant dense<0.000000e+00> : vector<1024x1xf32>
    %dot_general3A_106 = tpu.matmul %convert_element_type3A_102, %broadcast_in_dim3A_104, %dot_general3A_105 {dimension_numbers = #tpu.dot_dimension_numbers<[1], [0], [0], [1], [0, 0, 1, 1], [], []>, transpose_lhs_hint = false} : vector<1024x1024xbf16>, vector<1024x1xbf16>, vector<1024x1xf32> -> vector<1024x1xf32>
    %add3A_107 = arith.addf %add3A_73, %dot_general3A_106 : vector<1024x1xf32>
    %get3A_108 = arith.constant 3 : index
    %get3A_109 = arith.constant 0 : index
    %get3A_110 = arith.constant 0 : index
    %get3A_111 = vector.load %arg1[%get3A_108, %get3A_109, %get3A_110] : memref<8x64x1024xf32, #tpu.memory_space<vmem>>, vector<1x64x1024xf32>
    %get3A_112 = vector.shape_cast %get3A_111 : vector<1x64x1024xf32> to vector<64x1024xf32>
    %convert_element_type3A_113 = arith.truncf %get3A_112 : vector<64x1024xf32> to vector<64x1024xbf16>
    %dot_general3A_114 = arith.constant dense<0.000000e+00> : vector<1024x1024xf32>
    %dot_general3A_115 = tpu.matmul %mul3A_3, %convert_element_type3A_113, %dot_general3A_114 {dimension_numbers = #tpu.dot_dimension_numbers<[0], [0], [1], [1], [0, 1, 1, 1], [], []>, transpose_lhs_hint = false} : vector<64x1024xbf16>, vector<64x1024xbf16>, vector<1024x1024xf32> -> vector<1024x1024xf32>
    %mul3A_116 = arith.mulf %get3A_112, %get3A_112 : vector<64x1024xf32>
    %reduce_sum3A_117 = arith.constant dense<0.000000e+00> : vector<1024xf32>
    %reduce_sum3A_118 = vector.multi_reduction <add>, %mul3A_116, %reduce_sum3A_117 [0] : vector<64x1024xf32> to vector<1024xf32>
    %broadcast_in_dim3A_119 = vector.shape_cast %reduce_sum3A_118 : vector<1024xf32> to vector<1x1024xf32>
    %add3A_120 = vector.broadcast %broadcast_in_dim3A_119 : vector<1x1024xf32> to vector<1024x1024xf32>
    %add3A_121 = arith.addf %add3A_120, %dot_general3A_115 : vector<1024x1024xf32>
    %add3A_122 = vector.broadcast %transpose3A : vector<1024x1xf32> to vector<1024x1024xf32>
    %add3A_123 = arith.addf %add3A_121, %add3A_122 : vector<1024x1024xf32>
    %argmin3A_124 = tpu.reduce_index %add3A_123 {axis = 0 : i32, kind = #tpu.reduction_kind<arg_min>} : vector<1024x1024xf32> -> vector<1024xi32>
    %swap3A_125 = arith.constant 3 : index
    %swap3A_126 = arith.constant 0 : index
    %swap3A_127 = vector.load %arg3[%swap3A_125, %swap3A_126] : memref<8x1024xi32, #tpu.memory_space<vmem>>, vector<1x1024xi32>
    %swap3A_128 = vector.shape_cast %swap3A_127 : vector<1x1024xi32> to vector<1024xi32>
    %swap3A_129 = vector.shape_cast %argmin3A_124 : vector<1024xi32> to vector<1x1024xi32>
    tpu.vector_store %arg3[%swap3A_125, %swap3A_126], %swap3A_129 {strides = array<i32>} : memref<8x1024xi32, #tpu.memory_space<vmem>>, vector<1x1024xi32>,
    %iota3A_130 = tpu.iota {dimensions = array<i32: 0>} : vector<1024x1024xi32>
    %broadcast_in_dim3A_131 = vector.shape_cast %argmin3A_124 : vector<1024xi32> to vector<1x1024xi32>
    %eq3A_132 = vector.broadcast %broadcast_in_dim3A_131 : vector<1x1024xi32> to vector<1024x1024xi32>
    %eq3A_133 = arith.cmpi eq, %iota3A_130, %eq3A_132 : vector<1024x1024xi32>
    %convert_element_type3A_134 = arith.extui %eq3A_133 : vector<1024x1024xi1> to vector<1024x1024xi32>
    %convert_element_type3A_135 = arith.sitofp %convert_element_type3A_134 : vector<1024x1024xi32> to vector<1024x1024xf32>
    %convert_element_type3A_136 = arith.truncf %convert_element_type3A_135 : vector<1024x1024xf32> to vector<1024x1024xbf16>
    %broadcast_in_dim3A_137 = arith.constant 1.000000e+00 : bf16
    %broadcast_in_dim3A_138 = vector.broadcast %broadcast_in_dim3A_137 : bf16 to vector<1024x1xbf16>
    %dot_general3A_139 = arith.constant dense<0.000000e+00> : vector<1024x1xf32>
    %dot_general3A_140 = tpu.matmul %convert_element_type3A_136, %broadcast_in_dim3A_138, %dot_general3A_139 {dimension_numbers = #tpu.dot_dimension_numbers<[1], [0], [0], [1], [0, 0, 1, 1], [], []>, transpose_lhs_hint = false} : vector<1024x1024xbf16>, vector<1024x1xbf16>, vector<1024x1xf32> -> vector<1024x1xf32>
    %add3A_141 = arith.addf %add3A_107, %dot_general3A_140 : vector<1024x1xf32>
    %get3A_142 = arith.constant 4 : index
    %get3A_143 = arith.constant 0 : index
    %get3A_144 = arith.constant 0 : index
    %get3A_145 = vector.load %arg1[%get3A_142, %get3A_143, %get3A_144] : memref<8x64x1024xf32, #tpu.memory_space<vmem>>, vector<1x64x1024xf32>
    %get3A_146 = vector.shape_cast %get3A_145 : vector<1x64x1024xf32> to vector<64x1024xf32>
    %convert_element_type3A_147 = arith.truncf %get3A_146 : vector<64x1024xf32> to vector<64x1024xbf16>
    %dot_general3A_148 = arith.constant dense<0.000000e+00> : vector<1024x1024xf32>
    %dot_general3A_149 = tpu.matmul %mul3A_3, %convert_element_type3A_147, %dot_general3A_148 {dimension_numbers = #tpu.dot_dimension_numbers<[0], [0], [1], [1], [0, 1, 1, 1], [], []>, transpose_lhs_hint = false} : vector<64x1024xbf16>, vector<64x1024xbf16>, vector<1024x1024xf32> -> vector<1024x1024xf32>
    %mul3A_150 = arith.mulf %get3A_146, %get3A_146 : vector<64x1024xf32>
    %reduce_sum3A_151 = arith.constant dense<0.000000e+00> : vector<1024xf32>
    %reduce_sum3A_152 = vector.multi_reduction <add>, %mul3A_150, %reduce_sum3A_151 [0] : vector<64x1024xf32> to vector<1024xf32>
    %broadcast_in_dim3A_153 = vector.shape_cast %reduce_sum3A_152 : vector<1024xf32> to vector<1x1024xf32>
    %add3A_154 = vector.broadcast %broadcast_in_dim3A_153 : vector<1x1024xf32> to vector<1024x1024xf32>
    %add3A_155 = arith.addf %add3A_154, %dot_general3A_149 : vector<1024x1024xf32>
    %add3A_156 = vector.broadcast %transpose3A : vector<1024x1xf32> to vector<1024x1024xf32>
    %add3A_157 = arith.addf %add3A_155, %add3A_156 : vector<1024x1024xf32>
    %argmin3A_158 = tpu.reduce_index %add3A_157 {axis = 0 : i32, kind = #tpu.reduction_kind<arg_min>} : vector<1024x1024xf32> -> vector<1024xi32>
    %swap3A_159 = arith.constant 4 : index
    %swap3A_160 = arith.constant 0 : index
    %swap3A_161 = vector.load %arg3[%swap3A_159, %swap3A_160] : memref<8x1024xi32, #tpu.memory_space<vmem>>, vector<1x1024xi32>
    %swap3A_162 = vector.shape_cast %swap3A_161 : vector<1x1024xi32> to vector<1024xi32>
    %swap3A_163 = vector.shape_cast %argmin3A_158 : vector<1024xi32> to vector<1x1024xi32>
    tpu.vector_store %arg3[%swap3A_159, %swap3A_160], %swap3A_163 {strides = array<i32>} : memref<8x1024xi32, #tpu.memory_space<vmem>>, vector<1x1024xi32>,
    %iota3A_164 = tpu.iota {dimensions = array<i32: 0>} : vector<1024x1024xi32>
    %broadcast_in_dim3A_165 = vector.shape_cast %argmin3A_158 : vector<1024xi32> to vector<1x1024xi32>
    %eq3A_166 = vector.broadcast %broadcast_in_dim3A_165 : vector<1x1024xi32> to vector<1024x1024xi32>
    %eq3A_167 = arith.cmpi eq, %iota3A_164, %eq3A_166 : vector<1024x1024xi32>
    %convert_element_type3A_168 = arith.extui %eq3A_167 : vector<1024x1024xi1> to vector<1024x1024xi32>
    %convert_element_type3A_169 = arith.sitofp %convert_element_type3A_168 : vector<1024x1024xi32> to vector<1024x1024xf32>
    %convert_element_type3A_170 = arith.truncf %convert_element_type3A_169 : vector<1024x1024xf32> to vector<1024x1024xbf16>
    %broadcast_in_dim3A_171 = arith.constant 1.000000e+00 : bf16
    %broadcast_in_dim3A_172 = vector.broadcast %broadcast_in_dim3A_171 : bf16 to vector<1024x1xbf16>
    %dot_general3A_173 = arith.constant dense<0.000000e+00> : vector<1024x1xf32>
    %dot_general3A_174 = tpu.matmul %convert_element_type3A_170, %broadcast_in_dim3A_172, %dot_general3A_173 {dimension_numbers = #tpu.dot_dimension_numbers<[1], [0], [0], [1], [0, 0, 1, 1], [], []>, transpose_lhs_hint = false} : vector<1024x1024xbf16>, vector<1024x1xbf16>, vector<1024x1xf32> -> vector<1024x1xf32>
    %add3A_175 = arith.addf %add3A_141, %dot_general3A_174 : vector<1024x1xf32>
    %get3A_176 = arith.constant 5 : index
    %get3A_177 = arith.constant 0 : index
    %get3A_178 = arith.constant 0 : index
    %get3A_179 = vector.load %arg1[%get3A_176, %get3A_177, %get3A_178] : memref<8x64x1024xf32, #tpu.memory_space<vmem>>, vector<1x64x1024xf32>
    %get3A_180 = vector.shape_cast %get3A_179 : vector<1x64x1024xf32> to vector<64x1024xf32>
    %convert_element_type3A_181 = arith.truncf %get3A_180 : vector<64x1024xf32> to vector<64x1024xbf16>
    %dot_general3A_182 = arith.constant dense<0.000000e+00> : vector<1024x1024xf32>
    %dot_general3A_183 = tpu.matmul %mul3A_3, %convert_element_type3A_181, %dot_general3A_182 {dimension_numbers = #tpu.dot_dimension_numbers<[0], [0], [1], [1], [0, 1, 1, 1], [], []>, transpose_lhs_hint = false} : vector<64x1024xbf16>, vector<64x1024xbf16>, vector<1024x1024xf32> -> vector<1024x1024xf32>
    %mul3A_184 = arith.mulf %get3A_180, %get3A_180 : vector<64x1024xf32>
    %reduce_sum3A_185 = arith.constant dense<0.000000e+00> : vector<1024xf32>
    %reduce_sum3A_186 = vector.multi_reduction <add>, %mul3A_184, %reduce_sum3A_185 [0] : vector<64x1024xf32> to vector<1024xf32>
    %broadcast_in_dim3A_187 = vector.shape_cast %reduce_sum3A_186 : vector<1024xf32> to vector<1x1024xf32>
    %add3A_188 = vector.broadcast %broadcast_in_dim3A_187 : vector<1x1024xf32> to vector<1024x1024xf32>
    %add3A_189 = arith.addf %add3A_188, %dot_general3A_183 : vector<1024x1024xf32>
    %add3A_190 = vector.broadcast %transpose3A : vector<1024x1xf32> to vector<1024x1024xf32>
    %add3A_191 = arith.addf %add3A_189, %add3A_190 : vector<1024x1024xf32>
    %argmin3A_192 = tpu.reduce_index %add3A_191 {axis = 0 : i32, kind = #tpu.reduction_kind<arg_min>} : vector<1024x1024xf32> -> vector<1024xi32>
    %swap3A_193 = arith.constant 5 : index
    %swap3A_194 = arith.constant 0 : index
    %swap3A_195 = vector.load %arg3[%swap3A_193, %swap3A_194] : memref<8x1024xi32, #tpu.memory_space<vmem>>, vector<1x1024xi32>
    %swap3A_196 = vector.shape_cast %swap3A_195 : vector<1x1024xi32> to vector<1024xi32>
    %swap3A_197 = vector.shape_cast %argmin3A_192 : vector<1024xi32> to vector<1x1024xi32>
    tpu.vector_store %arg3[%swap3A_193, %swap3A_194], %swap3A_197 {strides = array<i32>} : memref<8x1024xi32, #tpu.memory_space<vmem>>, vector<1x1024xi32>,
    %iota3A_198 = tpu.iota {dimensions = array<i32: 0>} : vector<1024x1024xi32>
    %broadcast_in_dim3A_199 = vector.shape_cast %argmin3A_192 : vector<1024xi32> to vector<1x1024xi32>
    %eq3A_200 = vector.broadcast %broadcast_in_dim3A_199 : vector<1x1024xi32> to vector<1024x1024xi32>
    %eq3A_201 = arith.cmpi eq, %iota3A_198, %eq3A_200 : vector<1024x1024xi32>
    %convert_element_type3A_202 = arith.extui %eq3A_201 : vector<1024x1024xi1> to vector<1024x1024xi32>
    %convert_element_type3A_203 = arith.sitofp %convert_element_type3A_202 : vector<1024x1024xi32> to vector<1024x1024xf32>
    %convert_element_type3A_204 = arith.truncf %convert_element_type3A_203 : vector<1024x1024xf32> to vector<1024x1024xbf16>
    %broadcast_in_dim3A_205 = arith.constant 1.000000e+00 : bf16
    %broadcast_in_dim3A_206 = vector.broadcast %broadcast_in_dim3A_205 : bf16 to vector<1024x1xbf16>
    %dot_general3A_207 = arith.constant dense<0.000000e+00> : vector<1024x1xf32>
    %dot_general3A_208 = tpu.matmul %convert_element_type3A_204, %broadcast_in_dim3A_206, %dot_general3A_207 {dimension_numbers = #tpu.dot_dimension_numbers<[1], [0], [0], [1], [0, 0, 1, 1], [], []>, transpose_lhs_hint = false} : vector<1024x1024xbf16>, vector<1024x1xbf16>, vector<1024x1xf32> -> vector<1024x1xf32>
    %add3A_209 = arith.addf %add3A_175, %dot_general3A_208 : vector<1024x1xf32>
    %get3A_210 = arith.constant 6 : index
    %get3A_211 = arith.constant 0 : index
    %get3A_212 = arith.constant 0 : index
    %get3A_213 = vector.load %arg1[%get3A_210, %get3A_211, %get3A_212] : memref<8x64x1024xf32, #tpu.memory_space<vmem>>, vector<1x64x1024xf32>
    %get3A_214 = vector.shape_cast %get3A_213 : vector<1x64x1024xf32> to vector<64x1024xf32>
    %convert_element_type3A_215 = arith.truncf %get3A_214 : vector<64x1024xf32> to vector<64x1024xbf16>
    %dot_general3A_216 = arith.constant dense<0.000000e+00> : vector<1024x1024xf32>
    %dot_general3A_217 = tpu.matmul %mul3A_3, %convert_element_type3A_215, %dot_general3A_216 {dimension_numbers = #tpu.dot_dimension_numbers<[0], [0], [1], [1], [0, 1, 1, 1], [], []>, transpose_lhs_hint = false} : vector<64x1024xbf16>, vector<64x1024xbf16>, vector<1024x1024xf32> -> vector<1024x1024xf32>
    %mul3A_218 = arith.mulf %get3A_214, %get3A_214 : vector<64x1024xf32>
    %reduce_sum3A_219 = arith.constant dense<0.000000e+00> : vector<1024xf32>
    %reduce_sum3A_220 = vector.multi_reduction <add>, %mul3A_218, %reduce_sum3A_219 [0] : vector<64x1024xf32> to vector<1024xf32>
    %broadcast_in_dim3A_221 = vector.shape_cast %reduce_sum3A_220 : vector<1024xf32> to vector<1x1024xf32>
    %add3A_222 = vector.broadcast %broadcast_in_dim3A_221 : vector<1x1024xf32> to vector<1024x1024xf32>
    %add3A_223 = arith.addf %add3A_222, %dot_general3A_217 : vector<1024x1024xf32>
    %add3A_224 = vector.broadcast %transpose3A : vector<1024x1xf32> to vector<1024x1024xf32>
    %add3A_225 = arith.addf %add3A_223, %add3A_224 : vector<1024x1024xf32>
    %argmin3A_226 = tpu.reduce_index %add3A_225 {axis = 0 : i32, kind = #tpu.reduction_kind<arg_min>} : vector<1024x1024xf32> -> vector<1024xi32>
    %swap3A_227 = arith.constant 6 : index
    %swap3A_228 = arith.constant 0 : index
    %swap3A_229 = vector.load %arg3[%swap3A_227, %swap3A_228] : memref<8x1024xi32, #tpu.memory_space<vmem>>, vector<1x1024xi32>
    %swap3A_230 = vector.shape_cast %swap3A_229 : vector<1x1024xi32> to vector<1024xi32>
    %swap3A_231 = vector.shape_cast %argmin3A_226 : vector<1024xi32> to vector<1x1024xi32>
    tpu.vector_store %arg3[%swap3A_227, %swap3A_228], %swap3A_231 {strides = array<i32>} : memref<8x1024xi32, #tpu.memory_space<vmem>>, vector<1x1024xi32>,
    %iota3A_232 = tpu.iota {dimensions = array<i32: 0>} : vector<1024x1024xi32>
    %broadcast_in_dim3A_233 = vector.shape_cast %argmin3A_226 : vector<1024xi32> to vector<1x1024xi32>
    %eq3A_234 = vector.broadcast %broadcast_in_dim3A_233 : vector<1x1024xi32> to vector<1024x1024xi32>
    %eq3A_235 = arith.cmpi eq, %iota3A_232, %eq3A_234 : vector<1024x1024xi32>
    %convert_element_type3A_236 = arith.extui %eq3A_235 : vector<1024x1024xi1> to vector<1024x1024xi32>
    %convert_element_type3A_237 = arith.sitofp %convert_element_type3A_236 : vector<1024x1024xi32> to vector<1024x1024xf32>
    %convert_element_type3A_238 = arith.truncf %convert_element_type3A_237 : vector<1024x1024xf32> to vector<1024x1024xbf16>
    %broadcast_in_dim3A_239 = arith.constant 1.000000e+00 : bf16
    %broadcast_in_dim3A_240 = vector.broadcast %broadcast_in_dim3A_239 : bf16 to vector<1024x1xbf16>
    %dot_general3A_241 = arith.constant dense<0.000000e+00> : vector<1024x1xf32>
    %dot_general3A_242 = tpu.matmul %convert_element_type3A_238, %broadcast_in_dim3A_240, %dot_general3A_241 {dimension_numbers = #tpu.dot_dimension_numbers<[1], [0], [0], [1], [0, 0, 1, 1], [], []>, transpose_lhs_hint = false} : vector<1024x1024xbf16>, vector<1024x1xbf16>, vector<1024x1xf32> -> vector<1024x1xf32>
    %add3A_243 = arith.addf %add3A_209, %dot_general3A_242 : vector<1024x1xf32>
    %get3A_244 = arith.constant 7 : index
    %get3A_245 = arith.constant 0 : index
    %get3A_246 = arith.constant 0 : index
    %get3A_247 = vector.load %arg1[%get3A_244, %get3A_245, %get3A_246] : memref<8x64x1024xf32, #tpu.memory_space<vmem>>, vector<1x64x1024xf32>
    %get3A_248 = vector.shape_cast %get3A_247 : vector<1x64x1024xf32> to vector<64x1024xf32>
    %convert_element_type3A_249 = arith.truncf %get3A_248 : vector<64x1024xf32> to vector<64x1024xbf16>
    %dot_general3A_250 = arith.constant dense<0.000000e+00> : vector<1024x1024xf32>
    %dot_general3A_251 = tpu.matmul %mul3A_3, %convert_element_type3A_249, %dot_general3A_250 {dimension_numbers = #tpu.dot_dimension_numbers<[0], [0], [1], [1], [0, 1, 1, 1], [], []>, transpose_lhs_hint = false} : vector<64x1024xbf16>, vector<64x1024xbf16>, vector<1024x1024xf32> -> vector<1024x1024xf32>
    %mul3A_252 = arith.mulf %get3A_248, %get3A_248 : vector<64x1024xf32>
    %reduce_sum3A_253 = arith.constant dense<0.000000e+00> : vector<1024xf32>
    %reduce_sum3A_254 = vector.multi_reduction <add>, %mul3A_252, %reduce_sum3A_253 [0] : vector<64x1024xf32> to vector<1024xf32>
    %broadcast_in_dim3A_255 = vector.shape_cast %reduce_sum3A_254 : vector<1024xf32> to vector<1x1024xf32>
    %add3A_256 = vector.broadcast %broadcast_in_dim3A_255 : vector<1x1024xf32> to vector<1024x1024xf32>
    %add3A_257 = arith.addf %add3A_256, %dot_general3A_251 : vector<1024x1024xf32>
    %add3A_258 = vector.broadcast %transpose3A : vector<1024x1xf32> to vector<1024x1024xf32>
    %add3A_259 = arith.addf %add3A_257, %add3A_258 : vector<1024x1024xf32>
    %argmin3A_260 = tpu.reduce_index %add3A_259 {axis = 0 : i32, kind = #tpu.reduction_kind<arg_min>} : vector<1024x1024xf32> -> vector<1024xi32>
    %swap3A_261 = arith.constant 7 : index
    %swap3A_262 = arith.constant 0 : index
    %swap3A_263 = vector.load %arg3[%swap3A_261, %swap3A_262] : memref<8x1024xi32, #tpu.memory_space<vmem>>, vector<1x1024xi32>
    %swap3A_264 = vector.shape_cast %swap3A_263 : vector<1x1024xi32> to vector<1024xi32>
    %swap3A_265 = vector.shape_cast %argmin3A_260 : vector<1024xi32> to vector<1x1024xi32>
    tpu.vector_store %arg3[%swap3A_261, %swap3A_262], %swap3A_265 {strides = array<i32>} : memref<8x1024xi32, #tpu.memory_space<vmem>>, vector<1x1024xi32>,
    %iota3A_266 = tpu.iota {dimensions = array<i32: 0>} : vector<1024x1024xi32>
    %broadcast_in_dim3A_267 = vector.shape_cast %argmin3A_260 : vector<1024xi32> to vector<1x1024xi32>
    %eq3A_268 = vector.broadcast %broadcast_in_dim3A_267 : vector<1x1024xi32> to vector<1024x1024xi32>
    %eq3A_269 = arith.cmpi eq, %iota3A_266, %eq3A_268 : vector<1024x1024xi32>
    %convert_element_type3A_270 = arith.extui %eq3A_269 : vector<1024x1024xi1> to vector<1024x1024xi32>
    %convert_element_type3A_271 = arith.sitofp %convert_element_type3A_270 : vector<1024x1024xi32> to vector<1024x1024xf32>
    %convert_element_type3A_272 = arith.truncf %convert_element_type3A_271 : vector<1024x1024xf32> to vector<1024x1024xbf16>
    %broadcast_in_dim3A_273 = arith.constant 1.000000e+00 : bf16
    %broadcast_in_dim3A_274 = vector.broadcast %broadcast_in_dim3A_273 : bf16 to vector<1024x1xbf16>
    %dot_general3A_275 = arith.constant dense<0.000000e+00> : vector<1024x1xf32>
    %dot_general3A_276 = tpu.matmul %convert_element_type3A_272, %broadcast_in_dim3A_274, %dot_general3A_275 {dimension_numbers = #tpu.dot_dimension_numbers<[1], [0], [0], [1], [0, 0, 1, 1], [], []>, transpose_lhs_hint = false} : vector<1024x1024xbf16>, vector<1024x1xbf16>, vector<1024x1xf32> -> vector<1024x1xf32>
    %add3A_277 = arith.addf %add3A_243, %dot_general3A_276 : vector<1024x1xf32>
    %get3A_278 = arith.constant 0 : index
    %get3A_279 = arith.constant 0 : index
    %get3A_280 = vector.load %arg5[%get3A_278, %get3A_279] : memref<1024x1xf32, #tpu.memory_space<vmem>>, vector<1024x1xf32>
    %add3A_281 = arith.addf %get3A_280, %add3A_277 : vector<1024x1xf32>
    %swap3A_282 = arith.constant 0 : index
    %swap3A_283 = arith.constant 0 : index
    %swap3A_284 = vector.load %arg5[%swap3A_282, %swap3A_283] : memref<1024x1xf32, #tpu.memory_space<vmem>>, vector<1024x1xf32>
    tpu.vector_store %arg5[%swap3A_282, %swap3A_283], %add3A_281 {strides = array<i32>} : memref<1024x1xf32, #tpu.memory_space<vmem>>, vector<1024x1xf32>,
    %eq3A_285 = arith.constant 1 : i32
    %eq3A_286 = arith.cmpi eq, %arg0, %eq3A_285 : i32
    %convert_element_type3A_287 = arith.extui %eq3A_286 : i1 to i32
    %cond3A_288 = arith.constant 0 : i32
    %cond3A_289 = arith.cmpi ne, %convert_element_type3A_287, %cond3A_288 : i32
    scf.if %cond3A_289 {
      %get3A_290 = arith.constant 0 : index
      %get3A_291 = arith.constant 0 : index
      %get3A_292 = vector.load %arg5[%get3A_290, %get3A_291] : memref<1024x1xf32, #tpu.memory_space<vmem>>, vector<1024x1xf32>
      %mul3A_293 = arith.constant 6.10351563E-5 : f32
      %mul3A_294 = vector.broadcast %mul3A_293 : f32 to vector<1024x1xf32>
      %mul3A_295 = arith.mulf %get3A_292, %mul3A_294 : vector<1024x1xf32>
      %add3A_296 = arith.constant 1.000000e-10 : f32
      %add3A_297 = vector.broadcast %add3A_296 : f32 to vector<1024x1xf32>
      %add3A_298 = arith.addf %mul3A_295, %add3A_297 : vector<1024x1xf32>
      %log3A = math.log %add3A_298 : vector<1024x1xf32>
      %mul3A_299 = arith.mulf %mul3A_295, %log3A : vector<1024x1xf32>
      %reduce_sum3A_300 = vector.shape_cast %mul3A_299 : vector<1024x1xf32> to vector<1x1024x1xf32>
      %reduce_sum3A_301 = arith.constant dense<0.000000e+00> : vector<1xf32>
      %reduce_sum3A_302 = vector.multi_reduction <add>, %reduce_sum3A_300, %reduce_sum3A_301 [1, 2] : vector<1x1024x1xf32> to vector<1xf32>
      %reduce_sum3A_303 = vector.shape_cast %reduce_sum3A_302 : vector<1xf32> to vector<1x1x1xf32>
      %reduce_sum3A_304 = vector.extract %reduce_sum3A_303[0, 0, 0] : f32 from vector<1x1x1xf32>
      %neg3A = arith.constant 0.000000e+00 : f32
      %neg3A_305 = arith.subf %neg3A, %reduce_sum3A_304 : f32
      %exp3A = math.exp %neg3A_305 : f32
      %reshape3A = vector.broadcast %exp3A : f32 to vector<1x1xf32>
      %swap3A_306 = arith.constant 0 : index
      %swap3A_307 = arith.constant 0 : index
      %swap3A_308 = vector.load %arg4[%swap3A_306, %swap3A_307] : memref<1x1xf32, #tpu.memory_space<vmem>>, vector<1x1xf32>
      tpu.vector_store %arg4[%swap3A_306, %swap3A_307], %reshape3A {strides = array<i32>} : memref<1x1xf32, #tpu.memory_space<vmem>>, vector<1x1xf32>,
    } else {
    }
    return
  }
  func.func @transform_0(%arg0: i32) -> (i32, i32, i32) {
    %c0_i32 = arith.constant 0 : i32
    %c0_i32_0 = arith.constant 0 : i32
    %c0_i32_1 = arith.constant 0 : i32
    return %arg0, %c0_i32, %c0_i32_0 : i32, i32, i32
  }
  func.func @transform_1(%arg0: i32) -> (i32, i32) {
    %c0_i32 = arith.constant 0 : i32
    %c0_i32_0 = arith.constant 0 : i32
    %c0_i32_1 = arith.constant 0 : i32
    return %c0_i32, %c0_i32_0 : i32, i32
  }
  func.func @transform_2(%arg0: i32) -> (i32, i32) {
    %c0_i32 = arith.constant 0 : i32
    %c0_i32_0 = arith.constant 0 : i32
    return %arg0, %c0_i32 : i32, i32
  }
  func.func @transform_3(%arg0: i32) -> (i32, i32) {
    %c0_i32 = arith.constant 0 : i32
    %c0_i32_0 = arith.constant 0 : i32
    %c0_i32_1 = arith.constant 0 : i32
    return %c0_i32, %c0_i32_0 : i32, i32
  }
}

</mosaic_0001>

<sc_bundles>
// kernel: kernel.5.cloned.1.call-start
scs
__scs_entry_jumppad:
0x0: {  	(pc) =	sbr.rel $0x88, $3  }
0x1: {  	(tag) =	ssettag $0x0;
	lr =	simm.s32 $0x1  }
0x2: {  	[smem:$0x3F9F] =	sst lr;
	_ =	strace $0xD0000000  }
0x3: {  	_ = 	snop  }
0x4: {  	_ = 	snop  }
0x5: {  	_ = 	snop  }
0x6: {  	_ = 	snop  }
0x7: {  	_ = 	snop  }
__scs_overlays_trampoline_lowered:
0x8: {  	[smem:$0x3FAE] =	sst s0  }
0x9: {  	[smem:$0x3FAF] =	sst s1  }
0xa: {  	[smem:$0x3FB0] =	sst s2  }
0xb: {  	[smem:$0x3FB1] =	sst s3  }
0xc: {  	[smem:$0x3FB2] =	sst s4  }
0xd: {  	[smem:$0x3FB3] =	sst s5  }
0xe: {  	[smem:$0x3FB4] =	sst s6  }
0xf: {  	[smem:$0x3FB5] =	sst s7  }
0x10: {  	[smem:$0x3FB6] =	sst s8  }
0x11: {  	[smem:$0x3FB7] =	sst s9;
	s0 =	simm.s32 @!p0 $0x0  }
0x12: {  	s1 =	sld [smem:$0x3F9D];
	s0 =	simm.s32 @p0 $0x1  }
0x13: {  	[smem:$0x3FB8] =	sst s0;
	s0 =	simm.s32 @!p1 $0x0  }
0x14: {  	s2 =	sld [smem:$0x3F9C];
	s0 =	simm.s32 @p1 $0x1  }
0x15: {  	[smem:$0x3FB9] =	sst s0;
	s0 =	simm.s32 @!p2 $0x0  }
0x16: {  	s3 =	sld [smem:$0x3FDB];
	s0 =	simm.s32 @p2 $0x1  }
0x17: {  	s4 =	simm.s32 $0x1BF5;
	[smem:$0x3FBB] =	sst s0  }
0x18: {  	s0 =	sld [smem:$0x3F9E];
	_ =	swait.ge [sflag:s4], $0x0  }
0x19: {  	s7 =	sld [smem:$0x3F9F]  }
0x1a: {  	s8 =	sadd.s32 $0xFFFFE003, lr  }
0x1b: {  	s9 =	sadd.s32 $0xFFFFFEF7, lr;
	s5 =	simm.s32 $0xFFFFFFFF;
	p2 =	slt.u32 s8, $0xFFFFF086  }
0x1c: {  	p1 =	slt.u32 s9, $0xF7A;
	s5 =	simm.s32 @!p2 $0x0  }
0x1d: {  	s5 =	simm.s32 @p1 $0x1;
	p0 =	seq.s32 s7, s2  }
0x1e: {  	s7 =	smul.u32 @!p0 $0xF7A, s2;
	p2 =	seq.s32 @!p0 s5, $0x0  }
0x1f: {  	s9 =	smul.u32 $0xF7A, s1;
	s8 =	simm.s32 @!p0 $0x1BF5;
	p2 =	por !p2, p0  }
0x20: {  	[sflag:s8] =	ssyncset.s32 @!p0 $0xFFFFF086;
	s6 =	sadd.s32 @!p0 s3, s7;
	s7 =	simm.s32 @!p0 $0x108  }
0x21: {  	s3 =	sadd.s32 s3, s9;
	s6 =	sadd.s32 @!p0 $0x88, s6;
	s7 =	simm.s32 @p2 $0x1082  }
0x22: {  	[simem:s7], [sflag:s8] =	dma.local @!p0 [hbm:s6], $0xF7A  }
0x23: {  	s9 =	sor.u32 $0xD0000000, s2;
	s6 =	simm.s32 $0x108;
	_ =	swait.ge @!p0 [sflag:s8], $0x0  }
0x24: {  	s3 =	sadd.s32 $0x88, s3;
	s6 =	simm.s32 @!p1 $0x1082;
	[sflag:s4] =	ssyncset.s32 $0xFFFFF086  }
0x25: {  	[simem:s6], [sflag:s4] =	dma.local [hbm:s3], $0xF7A  }
0x26: {  	[smem:$0x3F9F] =	sst s1;
	(tag) =	ssettag s2;
	_ =	strace s9  }
0x27: {  	s1 =	sld [smem:$0x3FAF]  }
0x28: {  	s2 =	sld [smem:$0x3FB0]  }
0x29: {  	s4 =	sld [smem:$0x3FB2]  }
0x2a: {  	p0 =	seq.s32 s5, $0x0;
	s5 =	sld [smem:$0x3FB3]  }
0x2b: {  	s6 =	sld [smem:$0x3FB4]  }
0x2c: {  	s7 =	sld [smem:$0x3FB5]  }
0x2d: {  	s3 =	simm.s32 $0x108;
	s8 =	sld [smem:$0x3FB6]  }
0x2e: {  	s3 =	simm.s32 @!p0 $0x1082;
	s9 =	sld [smem:$0x3FB7]  }
0x2f: {  	lr =	sadd.s32 s0, s3;
	s0 =	sld [smem:$0x3FAE]  }
0x30: {  	s3 =	sld [smem:$0x3FB1]  }
0x31: {  	[smem:$0x3FBA] =	sst s10  }
0x32: {  	s10 =	sld [smem:$0x3FB8];
	_ =	sdelay $0x3  }
0x33: {  	p0 =	seq.s32 s10, $0x1;
	s10 =	sld [smem:$0x3FBA];
	_ =	sdelay $0x3  }
0x34: {  	[smem:$0x3FBA] =	sst s10  }
0x35: {  	s10 =	sld [smem:$0x3FB9];
	_ =	sdelay $0x3  }
0x36: {  	p1 =	seq.s32 s10, $0x1;
	s10 =	sld [smem:$0x3FBA];
	_ =	sdelay $0x3  }
0x37: {  	[smem:$0x3FBA] =	sst s10  }
0x38: {  	s10 =	sld [smem:$0x3FBB]  }
0x39: {  	_ = 	snop;
	(pc) =	sbr.ind lr, $3  }
0x3a: {  	_ = 	snop  }
0x3b: {  	_ = 	snop  }
0x3c: {  	p2 =	seq.s32 s10, $0x1;
	s10 =	sld [smem:$0x3FBA]  }
0x3d: {  	_ =	shalt  }
0x3e: {  	_ =	shalt  }
0x3f: {  	_ =	shalt  }
0x40: {  	_ =	shalt  }
0x41: {  	_ =	shalt  }
0x42: {  	_ =	shalt  }
0x43: {  	_ =	shalt  }
0x44: {  	_ =	shalt  }
0x45: {  	_ =	shalt  }
0x46: {  	_ =	shalt  }
0x47: {  	_ =	shalt  }
0x48: {  	_ =	shalt  }
0x49: {  	_ =	shalt  }
0x4a: {  	_ =	shalt  }
0x4b: {  	_ =	shalt  }
0x4c: {  	_ =	shalt  }
0x4d: {  	_ =	shalt  }
0x4e: {  	_ =	shalt  }
0x4f: {  	_ =	shalt  }
0x50: {  	_ =	shalt  }
0x51: {  	_ =	shalt  }
0x52: {  	_ =	shalt  }
0x53: {  	_ =	shalt  }
0x54: {  	_ =	shalt  }
0x55: {  	_ =	shalt  }
0x56: {  	_ =	shalt  }
0x57: {  	_ =	shalt  }
0x58: {  	_ =	shalt  }
0x59: {  	_ =	shalt  }
0x5a: {  	_ =	shalt  }
0x5b: {  	_ =	shalt  }
0x5c: {  	_ =	shalt  }
0x5d: {  	_ =	shalt  }
0x5e: {  	_ =	shalt  }
0x5f: {  	_ =	shalt  }
0x60: {  	_ =	shalt  }
0x61: {  	_ =	shalt  }
0x62: {  	_ =	shalt  }
0x63: {  	_ =	shalt  }
0x64: {  	_ =	shalt  }
0x65: {  	_ =	shalt  }
0x66: {  	_ =	shalt  }
0x67: {  	_ =	shalt  }
0x68: {  	_ =	shalt  }
0x69: {  	_ =	shalt  }
0x6a: {  	_ =	shalt  }
0x6b: {  	_ =	shalt  }
0x6c: {  	_ =	shalt  }
0x6d: {  	_ =	shalt  }
0x6e: {  	_ =	shalt  }
0x6f: {  	_ =	shalt  }
0x70: {  	_ =	shalt  }
0x71: {  	_ =	shalt  }
0x72: {  	_ =	shalt  }
0x73: {  	_ =	shalt  }
0x74: {  	_ =	shalt  }
0x75: {  	_ =	shalt  }
0x76: {  	_ =	shalt  }
0x77: {  	_ =	shalt  }
0x78: {  	_ =	shalt  }
0x79: {  	_ =	shalt  }
0x7a: {  	_ =	shalt  }
0x7b: {  	_ =	shalt  }
0x7c: {  	_ =	shalt  }
0x7d: {  	_ =	shalt  }
0x7e: {  	_ =	shalt  }
0x7f: {  	_ =	shalt  }
0x80: {  	_ =	shalt  }
0x81: {  	_ =	shalt  }
0x82: {  	_ =	shalt  }
0x83: {  	_ =	shalt  }
0x84: {  	_ =	shalt  }
0x85: {  	_ =	shalt  }
0x86: {  	_ =	shalt  }
0x87: {  	_ =	shalt  }
.Lfunc_end0:
.L_simem_size_0:
called_computation_lowered:
.L_overlay_start_0:
0x88: {  	s2 =	sld [smem:$0x3FD9]  }
0x89: {  	s3 =	sld [smem:$0x3FFE];
	_ =	sdelay $0x1  }
0x8a: {  	s1 =	srdreg.scid  }
0x8b: {  	s0 =	sand.u32 $0x1, s1  }
0x8c: {  	s14 =	sshll.u32 s0, $0xA;
	s2 =	sadd.s32 s3, s2  }
0x8d: {  	s2 =	sadd.s32 s2, s14  }
0x8e: {  	[smem:$0x3FC6] =	sst s2  }
0x8f: {  	_ = 	snop  }
0x90: {  	s2 =	sld [smem:$0x3FD0];
	_ =	sdelay $0x2  }
0x91: {  	s15 =	simm.s32 $0xA;
	s4 =	simm.s32 $0x10  }
0x92: {  	[smem:s4], [sflag:s15] =	dma.local [hbm:s2], $0x1  }
0x93: {  	_ =	swait.eq [sflag:s15], $0x1  }
0x94: {  	[sflag:s15] =	ssyncset.done $0x0  }
0x95: {  	[sflag:s15] =	ssyncadd.s32 $0xFFFFFFFF  }
0x96: {  	s16 =	sld [smem:$0x10];
	(tm) =	ssettm $0x1  }
0x97: {  	s17 =	sld [smem:$0x3FFB];
	_ =	sdelay $0x3  }
0x98: {  	_ =	strace s17  }
0x99: {  	s3 =	sld [smem:$0x3FFC];
	_ =	sdelay $0x3  }
0x9a: {  	_ =	strace s3  }
0x9b: {  	s3 =	sld [smem:$0x3FFD];
	_ =	sdelay $0x3  }
0x9c: {  	_ =	strace s3  }
0x9d: {  	_ =	strace $0x8FFFFFFF  }
0x9e: {  	s18 =	sld [smem:$0x3FDB];
	_ =	sdelay $0x1  }
0x9f: {  	s19 =	simm.s32 $_scs_section_size  }
0xa0: {  	s5 =	simm.s32 $_size__tile_overlayer_lowered;
	s6 =	simm.s32 $_tile_overlayer_lowered  }
0xa1: {  	s22 =	simm.s32 $0x1BFF;
	s21 =	sshll.u32 s6, $0x1;
	s3 =	sadd.s32 s19, s18  }
0xa2: {  	s7 =	simm.s32 $0x0;
	s20 =	sshll.u32 s5, $0x1;
	s5 =	sadd.s32 s21, s3  }
0xa3: {  	[timem:s7], [sflag:s22] =	dma.local [hbm:s5], s20  }
0xa4: {  	_ =	swait.ge [sflag:s22], s20  }
0xa5: {  	s4 =	ssub.s32 $0x0, s20;
	[sflag:s22] =	ssyncset.done $0x0  }
0xa6: {  	[sflag:s22] =	ssyncadd.s32 s4;
	_ =	sdelay $0x1  }
0xa7: {  	s23 =	simm.s32 $0x1B8B  }
0xa8: {  	_ =	swait.ge [sflag:s23], $0x1  }
0xa9: {  	[sflag:s23] =	ssyncset.done $0x0  }
0xaa: {  	s25 =	simm.s32 $0x1B8E;
	s24 =	sld [smem:$0x3FFE];
	[sflag:s23] =	ssyncadd.s32 $0xFFFFFFFF  }
0xab: {  	s26 =	simm.s32 $execute0_lowered;
	[smem:$0x3FD2] =	sst s25  }
0xac: {  	s5 =	sshll.u32 s26, $0x1;
	_ =	strace $0x80000046;
	[dreg:$0x1] =	wrdreg $0xFFFFFFFF  }
0xad: {  	s28 =	simm.s32 $_size_execute0_lowered;
	s3 =	sadd.s32 s3, s5;
	[dreg:$0x0] =	wrdreg $0x0  }
0xae: {  	s5 =	sshll.u32 s28, $0x1;
	[dreg:$0x2] =	wrdreg s3  }
0xaf: {  	[dreg:$0x3] =	wrdreg s5  }
0xb0: {  	[dreg:$0x4] =	wrdreg $0xC0  }
0xb1: {  	_ =	task [dreg:s7], $0x5FFFF  }
0xb2: {  	[dreg:$0x1] =	wrdreg $0xFFFFFFFF  }
0xb3: {  	[dreg:$0x0] =	wrdreg $0x60  }
0xb4: {  	[dreg:$0x2] =	wrdreg s16  }
0xb5: {  	[dreg:$0x3] =	wrdreg s24  }
0xb6: {  	[dreg:$0x4] =	wrdreg $0x9  }
0xb7: {  	_ =	task.clear_ibuf [dreg:s7], $0x5FFFF;
	_ =	strace $0x90000046  }
0xb8: {  	s29 =	simm.s32 $0x9;
	_ =	strace $0x80000048  }
0xb9: {  	_ =	swait.ge [sflag:s29], $0x1  }
0xba: {  	[sflag:s29] =	ssyncadd.s32 $0xFFFFFFFF  }
0xbb: {  	_ =	strace $0x90000048  }
0xbc: {  	_ =	sfence  }
0xbd: {  	s30 =	sld [smem:$0x0];
	_ =	sdelay $0x2  }
0xbe: {  	s31 =	sshll.u32 s1, $0xD;
	s1 =	sshrl.u32 s1, $0x2  }
0xbf: {  	s3 =	sand.u32 $0x4000, s31;
	s1 =	sadd.s32 s1, s30  }
0xc0: {  	s0 =	sor.u32 s3, s0;
	s1 =	sshll.u32 s1, $0x11  }
0xc1: {  	s0 =	sor.u32 s1, s0  }
0xc2: {  	s0 =	sadd.s32 $0x8F2B, s0  }
0xc3: {  	[sflag:s0] =	ssyncadd.remote.s32 $0x1  }
0xc4: {  	_ =	sfence.sel $0xFFFF  }
0xc5: {  	[dreg:$0x0] =	wrdreg $0xFFFFFFFF;
	(pc) =	sbr.abs _section_cstart, $3  }
0xc6: {  	[dreg:$0x1] =	wrdreg $0xFFFFFFFF  }
0xc7: {  	_ =	task.clear_ibuf [dreg:s7], $0x2FFFF;
	_ =	strace $0x9FFFFFFF  }
0xc8: {  	(tm) =	ssettm $0x7FFFFFFF  }
0xc9: {  	_ =	shalt  }
tec
execute0_lowered:
.L_overlay_start_1:
0x0: {  	(tag) =	ssettag $0x1  }
0x1: {  	s1 =	rddreg [dreg:$0x0];
	s0 =	srdreg.scid  }
0x2: {  	s12 =	rddreg [dreg:$0x1];
	s13 =	sand.u32 $0x1, s0  }
0x3: {  	s2 =	stileid.u32;
	s3 =	simm.s32 $0x0;
	s4 =	sshll.u32 s13, $0x6  }
0x4: {  	s0 =	rddreg [dreg:$0x2];
	s5 =	sshll.u32 s2, $0x7;
	s4 =	sadd.s32 s4, s12  }
0x5: {  	[smem:$0x7FF] =	sst s3;
	s4 =	sadd.s32 s5, s4  }
0x6: {  	_ =	strace $0x80000047;
	s5 =	sadd.s32 $0xE00, s4;
	s4 =	simm.s32 $0x2  }
0x7: {  	[tilespmem:s3], [sflag:$0x2] =	stream.linear.gather [hbm4b:s5+s3], $0x200, $0x38;
	[tilespmem:$0x10200] =	vst v63  }
0x8: {  	_ =	swait.ge [sflag:s4], $0x200  }
0x9: {  	s6 =	simm.s32 $0x80;
	[sflag:s4] =	ssyncset.done $0x0  }
0xa: {  	s7 =	simm.s32 $0x200;
	s8 =	simm.s32 $0x1;
	[sflag:s4] =	ssyncadd.s32 $0xFFFFFE00  }
0xb: {  	[tilespmem:s7], [sflag:$0x1] =	stream.indirect.gather [hbm4b:s1+s6], $0x80, s3, s6, $0xb8;
	[tilespmem:$0x10200] =	vst v63  }
0xc: {  	_ =	swait.ge [sflag:s8], $0x4000  }
0xd: {  	[sflag:s8] =	ssyncset.done $0x0  }
0xe: {  	s9 =	simm.s32 $0x4200;
	[sflag:s8] =	ssyncadd.s32 $0xFFFFC000  }
0xf: {  	[tilespmem:s9], [sflag:$0x1] =	stream.indirect.gather [hbm4b:s1+s6], $0x80, s6, s6, $0xb8;
	[tilespmem:$0x10200] =	vst v63  }
0x10: {  	_ =	swait.ge [sflag:s8], $0x4000  }
0x11: {  	s10 =	simm.s32 $0x100;
	s11 =	simm.s32 $0x8200;
	[sflag:s8] =	ssyncset.done $0x0  }
0x12: {  	s14 =	sshll.u32 s13, $0xD;
	s15 =	ssub.s32 $0x2, s13;
	[sflag:s8] =	ssyncadd.s32 $0xFFFFC000  }
0x13: {  	[tilespmem:s11], [sflag:$0x1] =	stream.indirect.gather [hbm4b:s1+s6], $0x80, s10, s6, $0xb8;
	[tilespmem:$0x10200] =	vst v63  }
0x14: {  	s13 =	simm.s32 $0xC200;
	s16 =	sshrl.u32 s15, $0x1;
	_ =	swait.ge [sflag:s8], $0x4000  }
0x15: {  	s14 =	sadd.s32 s14, s12;
	s15 =	ssub.s32 s15, s16;
	[sflag:s8] =	ssyncset.done $0x0  }
0x16: {  	s12 =	simm.s32 $0x180;
	s15 =	smax.u32 s15, $0x1;
	[sflag:s8] =	ssyncadd.s32 $0xFFFFC000  }
0x17: {  	[tilespmem:s13], [sflag:$0x1] =	stream.indirect.gather [hbm4b:s1+s6], $0x80, s12, s6, $0xb8;
	[tilespmem:$0x10200] =	vst v63  }
0x18: {  	s17 =	sshll.u32 s2, $0xE;
	p0 =	sne.s32 s15, $0x1;
	_ =	swait.ge [sflag:s8], $0x4000  }
.Ltmp0:
0x19: {  	s14 =	sadd.s32 s17, s14;
	[sflag:s8] =	ssyncset.done $0x0;
	(pc) =	sbr.rel @!p0 .LBB2_2-.Ltmp0, $4  }
0x1a: {  	s14 =	sadd.s32 $0x1600, s14;
	[sflag:s8] =	ssyncadd.s32 $0xFFFFC000  }
0x1b: {  	[hbm4b:s14+s3] =	stream.linear.scatter [tilespmem:s7], [sflag:$0x2], $0x10000, $0x38;
	[tilespmem:$0x10200] =	vst v63  }
0x1c: {  	_ =	swait.ge [sflag:s4], $0x10000  }
0x1d: {  	s15 =	sadd.s32 $0xFFFFFFFF, s15;
	[sflag:s4] =	ssyncset.done $0x0  }
.LBB2_1:
0x1e: {  	p0 =	sne.s32 s15, $0x1;
	s15 =	sadd.s32 $0xFFFFFFFF, s15;
	[sflag:s4] =	ssyncadd.s32 $0xFFFF0000  }
0x1f: {  	[tilespmem:s3], [sflag:$0x2] =	stream.linear.gather [hbm4b:s5+s3], $0x200, $0x38;
	[tilespmem:$0x10200] =	vst v63  }
0x20: {  	_ =	swait.ge [sflag:s4], $0x200  }
0x21: {  	[sflag:s4] =	ssyncset.done $0x0  }
0x22: {  	[sflag:s4] =	ssyncadd.s32 $0xFFFFFE00  }
0x23: {  	[tilespmem:s7], [sflag:$0x1] =	stream.indirect.gather [hbm4b:s1+s6], $0x80, s3, s6, $0xb8;
	[tilespmem:$0x10200] =	vst v63  }
0x24: {  	_ =	swait.ge [sflag:s8], $0x4000  }
0x25: {  	[sflag:s8] =	ssyncset.done $0x0  }
0x26: {  	[sflag:s8] =	ssyncadd.s32 $0xFFFFC000  }
0x27: {  	[tilespmem:s9], [sflag:$0x1] =	stream.indirect.gather [hbm4b:s1+s6], $0x80, s6, s6, $0xb8;
	[tilespmem:$0x10200] =	vst v63  }
0x28: {  	_ =	swait.ge [sflag:s8], $0x4000  }
0x29: {  	[sflag:s8] =	ssyncset.done $0x0  }
0x2a: {  	[sflag:s8] =	ssyncadd.s32 $0xFFFFC000  }
0x2b: {  	[tilespmem:s11], [sflag:$0x1] =	stream.indirect.gather [hbm4b:s1+s6], $0x80, s10, s6, $0xb8;
	[tilespmem:$0x10200] =	vst v63  }
0x2c: {  	_ =	swait.ge [sflag:s8], $0x4000  }
0x2d: {  	[sflag:s8] =	ssyncset.done $0x0  }
0x2e: {  	[sflag:s8] =	ssyncadd.s32 $0xFFFFC000  }
0x2f: {  	[tilespmem:s13], [sflag:$0x1] =	stream.indirect.gather [hbm4b:s1+s6], $0x80, s12, s6, $0xb8;
	[tilespmem:$0x10200] =	vst v63  }
0x30: {  	_ =	swait.ge [sflag:s8], $0x4000  }
.Ltmp1:
0x31: {  	[sflag:s8] =	ssyncset.done $0x0;
	(pc) =	sbr.rel @p0 .LBB2_1-.Ltmp1, $4  }
0x32: {  	[sflag:s8] =	ssyncadd.s32 $0xFFFFC000  }
0x33: {  	[hbm4b:s14+s3] =	stream.linear.scatter [tilespmem:s7], [sflag:$0x2], $0x10000, $0x38;
	[tilespmem:$0x10200] =	vst v63  }
0x34: {  	_ =	swait.ge [sflag:s4], $0x10000  }
0x35: {  	[sflag:s4] =	ssyncset.done $0x0  }
.LBB2_2:
0x36: {  	[sflag:s4] =	ssyncadd.s32 $0xFFFF0000  }
0x37: {  	_ =	sfence.sel $0x180000  }
0x38: {  	[bflag:$0x0] =	sbarrier.arrive $0xFFFF  }
0x39: {  	p0 =	sne.s32 s2, $0x0;
	_ =	strace $0x90000047  }
0x3a: {  	s0 =	sadd.s32 @!p0 $0x100000, s0;
	[bflag:$0x2] =	sbarrier.arrive $0xFFFF  }
0x3b: {  	[sflag:s0] =	ssyncadd.tile.s32 @!p0 $0x1;
	_ =	shalt  }
.Lfunc_end2:
_tile_overlayer_lowered:
.L_overlay_start_2:
0x3c: {  	(tag) =	ssettag $0x2  }
0x3d: {  	s0 =	rddreg [dreg:$0x0];
	s2 =	stileid.u32  }
0x3e: {  	s1 =	rddreg [dreg:$0x1];
	p0 =	sne.s32 s2, $0x0  }
0x3f: {  	s3 =	rddreg [dreg:$0x2];
	[bflag:$0x3] =	sbarrier.arrive $0xFFFF;
	s2 =	simm.s32 @!p0 $0x1C02  }
0x40: {  	[timem:s3], [sflag:s2] =	dma.local @!p0 [hbm:s0], s1  }
0x41: {  	s0 =	simm.s32 @!p0 $0x2  }
0x42: {  	_ =	swait.ge @!p0 [sflag:s0], s1  }
0x43: {  	s1 =	ssub.s32 @!p0 $0x0, s1;
	[sflag:s0] =	ssyncset.done @!p0 $0x0  }
0x44: {  	[sflag:s0] =	ssyncadd.s32 @!p0 s1  }
0x45: {  	[bflag:$0x3] =	sbarrier.arrive $0xFFFF  }
0x46: {  	_ =	shalt  }

</sc_bundles>
